<compile_context>
chip_gen: v7x
topology: tpu7x:2x2x1
jax: 0.10.2.dev20260603
libtpu: 0.0.44.dev20260713+nightly
codegen_flags: <defaults>
</compile_context>

<pallas_src>
import functools
import jax
import jax.numpy as jnp
from jax import lax
from jax.experimental import pallas as pl
from jax.experimental.pallas import tpu as pltpu
from jax.experimental.pallas import tpu_sc as plsc

B = 16384
K = 16
NU = 1000000
NM = 100000
NC = 2
NS = 16
L = 16
NW = NC * NS
BPW = B // NW
NG = BPW // L

BL = 65536


def _detile_body(x_ref, o_ref):
    x = x_ref[...]
    o_ref[...] = (
        x.reshape(2, 8, BL // 128, 128)
        .transpose(0, 2, 1, 3)
        .reshape(BL * K)
    )


def _flatten_bias_body(x_ref, o_ref):
    o_ref[...] = x_ref[...].reshape(BL)


def _flatten_bias(bt, n):
    nblk = (n + BL - 1) // BL
    return pl.pallas_call(
        _flatten_bias_body,
        grid=(nblk,),
        in_specs=[pl.BlockSpec((1, BL), lambda i: (0, i))],
        out_specs=pl.BlockSpec((BL,), lambda i: (i,)),
        out_shape=jax.ShapeDtypeStruct((nblk * BL,), jnp.float32),
    )(bt)


def _detile_call(xt, n):
    nblk = (n + BL - 1) // BL
    return pl.pallas_call(
        _detile_body,
        grid=(nblk,),
        in_specs=[pl.BlockSpec((K, BL), lambda i: (0, i))],
        out_specs=pl.BlockSpec((BL * K,), lambda i: (i,)),
        out_shape=jax.ShapeDtypeStruct((nblk * BL * K,), jnp.float32),
    )(xt)


_mesh = plsc.VectorSubcoreMesh(core_axis_name="c", subcore_axis_name="s")


@functools.partial(
    pl.kernel,
    mesh=_mesh,
    out_type=jax.ShapeDtypeStruct((B,), jnp.float32),
    compiler_params=pltpu.CompilerParams(
        needs_layout_passes=False, use_tc_tiling_on_sc=False
    ),
    scratch_types=[
        pltpu.VMEM((BPW,), jnp.int32),
        pltpu.VMEM((BPW,), jnp.int32),
        pltpu.VMEM((K * BPW,), jnp.int32),
        pltpu.VMEM((K * BPW,), jnp.int32),
        pltpu.VMEM((K * BPW,), jnp.float32),
        pltpu.VMEM((K * BPW,), jnp.float32),
        pltpu.VMEM((BPW,), jnp.float32),
        pltpu.VMEM((BPW,), jnp.float32),
        pltpu.VMEM((BPW,), jnp.float32),
        pltpu.SemaphoreType.DMA,
    ],
)
def _mf_kernel(users_hbm, items_hbm, uf_hbm, mf_hbm, ub_hbm, mb_hbm, out_hbm,
               uidx_v, iidx_v, uoff_v, moff_v, uval_v, mval_v, ub_v, mb_v,
               out_v, sem):
    wid = lax.axis_index("s") * NC + lax.axis_index("c")
    base = wid * BPW

    pltpu.sync_copy(users_hbm.at[pl.ds(base, BPW)], uidx_v)
    pltpu.sync_copy(items_hbm.at[pl.ds(base, BPW)], iidx_v)

    cp_ub = pltpu.async_copy(ub_hbm.at[uidx_v], ub_v, sem)
    cp_mb = pltpu.async_copy(mb_hbm.at[iidx_v], mb_v, sem)

    def offsets(g, _):
        b0 = g * L
        rv = uidx_v[pl.ds(b0, L)]
        iv = iidx_v[pl.ds(b0, L)]
        ubase = ((rv // BL) * (BL * K) + ((rv // 128) % (BL // 128)) * 1024
                 + rv % 128)
        mbase = ((iv // BL) * (BL * K) + ((iv // 128) % (BL // 128)) * 1024
                 + iv % 128)
        for k in range(K):
            dk = (k // 8) * (BL * 8) + (k % 8) * 128
            uoff_v[pl.ds(k * BPW + b0, L)] = ubase + dk
            moff_v[pl.ds(k * BPW + b0, L)] = mbase + dk
        return 0

    lax.fori_loop(0, NG, offsets, 0)

    cp_u = pltpu.async_copy(uf_hbm.at[uoff_v], uval_v, sem)
    cp_m = pltpu.async_copy(mf_hbm.at[moff_v], mval_v, sem)
    cp_u.wait()
    cp_m.wait()
    cp_ub.wait()
    cp_mb.wait()

    def group(g, _):
        b0 = g * L
        acc = ub_v[pl.ds(b0, L)] + mb_v[pl.ds(b0, L)]
        for k in range(K):
            uk = uval_v[pl.ds(k * BPW + b0, L)]
            mk = mval_v[pl.ds(k * BPW + b0, L)]
            acc = acc + uk * mk
        out_v[pl.ds(b0, L)] = acc
        return 0

    lax.fori_loop(0, NG, group, 0)

    pltpu.sync_copy(out_v, out_hbm.at[pl.ds(base, BPW)])


def kernel(users, items, U, M, Ub, Mb):
    uflat = _detile_call(U.T, NU)
    mflat = _detile_call(M.T, NM)
    return _mf_kernel(users, items, uflat, mflat,
                      _flatten_bias(Ub.T, NU), _flatten_bias(Mb.T, NM))

# --- scband reference (transcript-rebuilt; emitter-appended) ---
"""Pipeline reference for scband-joint-user-mf-52999896432935 (READ-ONLY COPY).

The authoritative reference and input builder live on the scoring server;
editing this copy changes nothing except your own understanding.
"""

import jax, jax.numpy as jnp
import numpy as np

N_USERS = 1000000
N_MOVIES = 100000
K = 16
BATCH = 16384

def setup_inputs(seed: int = 0) -> dict:
    key = jax.random.key(seed)
    k_u, k_i, k_U, k_M, k_Ub, k_Mb = jax.random.split(key, 6)
    users = jax.random.randint(k_u, (BATCH,), 0, N_USERS, dtype=jnp.int64 if jax.config.jax_enable_x64 else jnp.int32)
    items = jax.random.randint(k_i, (BATCH,), 0, N_MOVIES, dtype=jnp.int64 if jax.config.jax_enable_x64 else jnp.int32)
    U = jax.random.normal(k_U, (N_USERS, K), dtype=jnp.float32)
    M = jax.random.normal(k_M, (N_MOVIES, K), dtype=jnp.float32)
    Ub = jax.random.normal(k_Ub, (N_USERS, 1), dtype=jnp.float32)
    Mb = jax.random.normal(k_Mb, (N_MOVIES, 1), dtype=jnp.float32)
    return {"users": users, "items": items, "U": U, "M": M, "Ub": Ub, "Mb": Mb}

def reference(users, items, U, M, Ub, Mb):
    # Faithful translation of JointUserMF.forward (self.I / self.Ib interpreted
    # as the movie/item tables self.M / self.Mb, the only item-sized tables).
    u_embeddings = jnp.take(U, users, axis=0)          # [B, k] gather
    i_embeddings = jnp.take(M, items, axis=0)          # [B, k] gather
    predictions = (u_embeddings * i_embeddings).sum(axis=1, keepdims=True)  # [B, 1]
    predictions = predictions + jnp.take(Ub, users, axis=0) + jnp.take(Mb, items, axis=0)
    return jnp.squeeze(predictions)                    # [B]

if __name__ == "__main__":
    import jax
    _d = setup_inputs()
    print(jax.jit(kernel)(*tuple(_d.values())))

</pallas_src>

<mosaic_0001>
#map = affine_map<(d0, d1) -> (0)>
module attributes {stable_mosaic.version = 14 : i64} {
  func.func @_mf_kernel(%arg0: i32, %arg1: i32, %arg2: memref<16384xi32, #tpu.memory_space<hbm>>, %arg3: memref<16384xi32, #tpu.memory_space<hbm>>, %arg4: memref<16777216xf32, #tpu.memory_space<hbm>>, %arg5: memref<2097152xf32, #tpu.memory_space<hbm>>, %arg6: memref<1048576xf32, #tpu.memory_space<hbm>>, %arg7: memref<131072xf32, #tpu.memory_space<hbm>>, %arg8: memref<16384xf32, #tpu.memory_space<hbm>>, %arg9: memref<512xi32, #tpu.memory_space<vmem>>, %arg10: memref<512xi32, #tpu.memory_space<vmem>>, %arg11: memref<8192xi32, #tpu.memory_space<vmem>>, %arg12: memref<8192xi32, #tpu.memory_space<vmem>>, %arg13: memref<8192xf32, #tpu.memory_space<vmem>>, %arg14: memref<8192xf32, #tpu.memory_space<vmem>>, %arg15: memref<512xf32, #tpu.memory_space<vmem>>, %arg16: memref<512xf32, #tpu.memory_space<vmem>>, %arg17: memref<512xf32, #tpu.memory_space<vmem>>, %arg18: memref<!tpu.dma_semaphore, #tpu.memory_space<semaphore_mem>>) attributes {dimension_semantics = [#tpu.dimension_semantics<core_parallel>, #tpu.dimension_semantics<subcore_parallel>], iteration_bounds = array<i64: 2, 16>, scalar_prefetch = 0 : i64, scratch_operands = 10 : i64, tpu.core_type = #tpu.core_type<sc_vector_subcore>, window_params = [{transform_indices = #map}, {transform_indices = #map}, {transform_indices = #map}, {transform_indices = #map}, {transform_indices = #map}, {transform_indices = #map}, {transform_indices = #map}]} {
    %mul3A = arith.constant 2 : i32
    %mul3A_0 = arith.muli %arg1, %mul3A : i32
    %add3A = arith.addi %mul3A_0, %arg0 : i32
    %mul3A_1 = arith.constant 512 : i32
    %mul3A_2 = arith.muli %add3A, %mul3A_1 : i32
    "tpu.region"() ({
      %run_scoped3A = tpu.sem_alloc : memref<!tpu.dma_semaphore, #tpu.memory_space<semaphore_mem>>
      %dma_start3A_30 = tpu.memref_slice %arg2[%mul3A_2] : memref<16384xi32, #tpu.memory_space<hbm>> -> memref<512xi32, #tpu.memory_space<hbm>>
      %dma_start3A_31 = tpu.memref_slice %arg2[%mul3A_2] : memref<16384xi32, #tpu.memory_space<hbm>> -> memref<512xi32, #tpu.memory_space<hbm>>
      tpu.enqueue_dma source(%dma_start3A_31 : memref<512xi32, #tpu.memory_space<hbm>>) target(%arg9 : memref<512xi32, #tpu.memory_space<vmem>>) target_semaphore(%run_scoped3A : memref<!tpu.dma_semaphore, #tpu.memory_space<semaphore_mem>>)
      %dma_wait3A_32 = tpu.memref_slice %arg2[%mul3A_2] : memref<16384xi32, #tpu.memory_space<hbm>> -> memref<512xi32, #tpu.memory_space<hbm>>
      %dma_wait3A_33 = tpu.memref_slice %arg2[%mul3A_2] : memref<16384xi32, #tpu.memory_space<hbm>> -> memref<512xi32, #tpu.memory_space<hbm>>
      tpu.wait_dma2 semaphore(%run_scoped3A : memref<!tpu.dma_semaphore, #tpu.memory_space<semaphore_mem>>) src(%dma_wait3A_33 : memref<512xi32, #tpu.memory_space<hbm>>) dst(%arg9 : memref<512xi32, #tpu.memory_space<vmem>>)
      tpu.yield
    }) : () -> ()
    "tpu.region"() ({
      %run_scoped3A = tpu.sem_alloc : memref<!tpu.dma_semaphore, #tpu.memory_space<semaphore_mem>>
      %dma_start3A_30 = tpu.memref_slice %arg3[%mul3A_2] : memref<16384xi32, #tpu.memory_space<hbm>> -> memref<512xi32, #tpu.memory_space<hbm>>
      %dma_start3A_31 = tpu.memref_slice %arg3[%mul3A_2] : memref<16384xi32, #tpu.memory_space<hbm>> -> memref<512xi32, #tpu.memory_space<hbm>>
      tpu.enqueue_dma source(%dma_start3A_31 : memref<512xi32, #tpu.memory_space<hbm>>) target(%arg10 : memref<512xi32, #tpu.memory_space<vmem>>) target_semaphore(%run_scoped3A : memref<!tpu.dma_semaphore, #tpu.memory_space<semaphore_mem>>)
      %dma_wait3A_32 = tpu.memref_slice %arg3[%mul3A_2] : memref<16384xi32, #tpu.memory_space<hbm>> -> memref<512xi32, #tpu.memory_space<hbm>>
      %dma_wait3A_33 = tpu.memref_slice %arg3[%mul3A_2] : memref<16384xi32, #tpu.memory_space<hbm>> -> memref<512xi32, #tpu.memory_space<hbm>>
      tpu.wait_dma2 semaphore(%run_scoped3A : memref<!tpu.dma_semaphore, #tpu.memory_space<semaphore_mem>>) src(%dma_wait3A_33 : memref<512xi32, #tpu.memory_space<hbm>>) dst(%arg10 : memref<512xi32, #tpu.memory_space<vmem>>)
      tpu.yield
    }) : () -> ()
    %dma_start3A = arith.constant 0 : i32
    %dma_start3A_3 = tpu.memref_slice %arg6[%dma_start3A] : memref<1048576xf32, #tpu.memory_space<hbm>> -> memref<1048576xf32, #tpu.memory_space<hbm>>
    tpu.enqueue_indirect_dma source(%dma_start3A_3 : memref<1048576xf32, #tpu.memory_space<hbm>>) target(%arg15 : memref<512xf32, #tpu.memory_space<vmem>>) offsets(%arg9 : memref<512xi32, #tpu.memory_space<vmem>>) semaphore(%arg18 : memref<!tpu.dma_semaphore, #tpu.memory_space<semaphore_mem>>)
    %dma_start3A_4 = arith.constant 0 : i32
    %dma_start3A_5 = tpu.memref_slice %arg7[%dma_start3A_4] : memref<131072xf32, #tpu.memory_space<hbm>> -> memref<131072xf32, #tpu.memory_space<hbm>>
    tpu.enqueue_indirect_dma source(%dma_start3A_5 : memref<131072xf32, #tpu.memory_space<hbm>>) target(%arg16 : memref<512xf32, #tpu.memory_space<vmem>>) offsets(%arg10 : memref<512xi32, #tpu.memory_space<vmem>>) semaphore(%arg18 : memref<!tpu.dma_semaphore, #tpu.memory_space<semaphore_mem>>)
    %scan3A = arith.constant 0 : i32
    %scan3A_6 = arith.constant 0 : i32
    %scan3A_7 = arith.constant 32 : i32
    %scan3A_8 = arith.addi %scan3A_6, %scan3A_7 : i32
    %scan3A_9 = arith.constant 1 : i32
    %scan3A_10 = scf.for %scan3A_30 = %scan3A_6 to %scan3A_8 step %scan3A_9 iter_args(%scan3A_31 = %scan3A) -> (i32)  : i32 {
      %mul3A_32 = arith.constant 16 : i32
      %mul3A_33 = arith.muli %scan3A_30, %mul3A_32 : i32
      %get3A = arith.index_cast %mul3A_33 : i32 to index
      %get3A_34 = tpu.vector_load %arg9[%get3A] {strides = array<i32>} : memref<512xi32, #tpu.memory_space<vmem>>, vector<16xi32>,
      %get3A_35 = arith.index_cast %mul3A_33 : i32 to index
      %get3A_36 = tpu.vector_load %arg10[%get3A_35] {strides = array<i32>} : memref<512xi32, #tpu.memory_space<vmem>>, vector<16xi32>,
      %jit3A = arith.constant 65536 : i32
      %div3A = vector.broadcast %jit3A : i32 to vector<16xi32>
      %div3A_37 = arith.divsi %get3A_34, %div3A : vector<16xi32>
      %sign3A = arith.constant 0 : i32
      %sign3A_38 = vector.broadcast %sign3A : i32 to vector<16xi32>
      %sign3A_39 = arith.cmpi sgt, %get3A_34, %sign3A_38 : vector<16xi32>
      %sign3A_40 = arith.extui %sign3A_39 : vector<16xi1> to vector<16xi32>
      %sign3A_41 = arith.constant 0 : i32
      %sign3A_42 = vector.broadcast %sign3A_41 : i32 to vector<16xi32>
      %sign3A_43 = arith.cmpi slt, %get3A_34, %sign3A_42 : vector<16xi32>
      %sign3A_44 = arith.extui %sign3A_43 : vector<16xi1> to vector<16xi32>
      %sign3A_45 = arith.subi %sign3A_40, %sign3A_44 : vector<16xi32>
      %sign3A_46 = arith.constant 0 : i32
      %sign3A_47 = arith.cmpi sgt, %jit3A, %sign3A_46 : i32
      %sign3A_48 = arith.extui %sign3A_47 : i1 to i32
      %sign3A_49 = arith.constant 0 : i32
      %sign3A_50 = arith.cmpi slt, %jit3A, %sign3A_49 : i32
      %sign3A_51 = arith.extui %sign3A_50 : i1 to i32
      %sign3A_52 = arith.subi %sign3A_48, %sign3A_51 : i32
      %ne3A = vector.broadcast %sign3A_52 : i32 to vector<16xi32>
      %ne3A_53 = arith.cmpi ne, %sign3A_45, %ne3A : vector<16xi32>
      %rem3A = vector.broadcast %jit3A : i32 to vector<16xi32>
      %rem3A_54 = arith.remsi %get3A_34, %rem3A : vector<16xi32>
      %ne3A_55 = arith.constant 0 : i32
      %ne3A_56 = vector.broadcast %ne3A_55 : i32 to vector<16xi32>
      %ne3A_57 = arith.cmpi ne, %rem3A_54, %ne3A_56 : vector<16xi32>
      %and3A = arith.andi %ne3A_53, %ne3A_57 : vector<16xi1>
      %sub3A = arith.constant 1 : i32
      %sub3A_58 = vector.broadcast %sub3A : i32 to vector<16xi32>
      %sub3A_59 = arith.subi %div3A_37, %sub3A_58 : vector<16xi32>
      %select_n3A = arith.select %and3A, %sub3A_59, %div3A_37 : vector<16xi1>, vector<16xi32>
      %mul3A_60 = arith.constant 1048576 : i32
      %mul3A_61 = vector.broadcast %mul3A_60 : i32 to vector<16xi32>
      %mul3A_62 = arith.muli %select_n3A, %mul3A_61 : vector<16xi32>
      %jit3A_63 = arith.constant 128 : i32
      %div3A_64 = vector.broadcast %jit3A_63 : i32 to vector<16xi32>
      %div3A_65 = arith.divsi %get3A_34, %div3A_64 : vector<16xi32>
      %sign3A_66 = arith.constant 0 : i32
      %sign3A_67 = vector.broadcast %sign3A_66 : i32 to vector<16xi32>
      %sign3A_68 = arith.cmpi sgt, %get3A_34, %sign3A_67 : vector<16xi32>
      %sign3A_69 = arith.extui %sign3A_68 : vector<16xi1> to vector<16xi32>
      %sign3A_70 = arith.constant 0 : i32
      %sign3A_71 = vector.broadcast %sign3A_70 : i32 to vector<16xi32>
      %sign3A_72 = arith.cmpi slt, %get3A_34, %sign3A_71 : vector<16xi32>
      %sign3A_73 = arith.extui %sign3A_72 : vector<16xi1> to vector<16xi32>
      %sign3A_74 = arith.subi %sign3A_69, %sign3A_73 : vector<16xi32>
      %sign3A_75 = arith.constant 0 : i32
      %sign3A_76 = arith.cmpi sgt, %jit3A_63, %sign3A_75 : i32
      %sign3A_77 = arith.extui %sign3A_76 : i1 to i32
      %sign3A_78 = arith.constant 0 : i32
      %sign3A_79 = arith.cmpi slt, %jit3A_63, %sign3A_78 : i32
      %sign3A_80 = arith.extui %sign3A_79 : i1 to i32
      %sign3A_81 = arith.subi %sign3A_77, %sign3A_80 : i32
      %ne3A_82 = vector.broadcast %sign3A_81 : i32 to vector<16xi32>
      %ne3A_83 = arith.cmpi ne, %sign3A_74, %ne3A_82 : vector<16xi32>
      %rem3A_84 = vector.broadcast %jit3A_63 : i32 to vector<16xi32>
      %rem3A_85 = arith.remsi %get3A_34, %rem3A_84 : vector<16xi32>
      %ne3A_86 = arith.constant 0 : i32
      %ne3A_87 = vector.broadcast %ne3A_86 : i32 to vector<16xi32>
      %ne3A_88 = arith.cmpi ne, %rem3A_85, %ne3A_87 : vector<16xi32>
      %and3A_89 = arith.andi %ne3A_83, %ne3A_88 : vector<16xi1>
      %sub3A_90 = arith.constant 1 : i32
      %sub3A_91 = vector.broadcast %sub3A_90 : i32 to vector<16xi32>
      %sub3A_92 = arith.subi %div3A_65, %sub3A_91 : vector<16xi32>
      %select_n3A_93 = arith.select %and3A_89, %sub3A_92, %div3A_65 : vector<16xi1>, vector<16xi32>
      %jit3A_94 = arith.constant 512 : i32
      %eq3A = arith.constant 0 : i32
      %eq3A_95 = arith.cmpi eq, %jit3A_94, %eq3A : i32
      %jit3A_96 = arith.constant 1 : i32
      %select_n3A_97 = arith.select %eq3A_95, %jit3A_96, %jit3A_94 : i32
      %rem3A_98 = vector.broadcast %select_n3A_97 : i32 to vector<16xi32>
      %rem3A_99 = arith.remsi %select_n3A_93, %rem3A_98 : vector<16xi32>
      %ne3A_100 = arith.constant 0 : i32
      %ne3A_101 = vector.broadcast %ne3A_100 : i32 to vector<16xi32>
      %ne3A_102 = arith.cmpi ne, %rem3A_99, %ne3A_101 : vector<16xi32>
      %lt3A = arith.constant 0 : i32
      %lt3A_103 = vector.broadcast %lt3A : i32 to vector<16xi32>
      %lt3A_104 = arith.cmpi slt, %rem3A_99, %lt3A_103 : vector<16xi32>
      %lt3A_105 = arith.constant 0 : i32
      %lt3A_106 = arith.cmpi slt, %select_n3A_97, %lt3A_105 : i32
      %ne3A_107 = vector.broadcast %lt3A_106 : i1 to vector<16xi1>
      %ne3A_108 = vector.broadcast %ne3A_107 : vector<16xi1> to vector<16xi1>
      %ne3A_109 = arith.xori %lt3A_104, %ne3A_108 : vector<16xi1>
      %and3A_110 = arith.andi %ne3A_109, %ne3A_102 : vector<16xi1>
      %add3A_111 = vector.broadcast %select_n3A_97 : i32 to vector<16xi32>
      %add3A_112 = arith.addi %rem3A_99, %add3A_111 : vector<16xi32>
      %select_n3A_113 = arith.select %and3A_110, %add3A_112, %rem3A_99 : vector<16xi1>, vector<16xi32>
      %mul3A_114 = arith.constant 1024 : i32
      %mul3A_115 = vector.broadcast %mul3A_114 : i32 to vector<16xi32>
      %mul3A_116 = arith.muli %select_n3A_113, %mul3A_115 : vector<16xi32>
      %add3A_117 = arith.addi %mul3A_62, %mul3A_116 : vector<16xi32>
      %jit3A_118 = arith.constant 128 : i32
      %eq3A_119 = arith.constant 0 : i32
      %eq3A_120 = arith.cmpi eq, %jit3A_118, %eq3A_119 : i32
      %jit3A_121 = arith.constant 1 : i32
      %select_n3A_122 = arith.select %eq3A_120, %jit3A_121, %jit3A_118 : i32
      %rem3A_123 = vector.broadcast %select_n3A_122 : i32 to vector<16xi32>
      %rem3A_124 = arith.remsi %get3A_34, %rem3A_123 : vector<16xi32>
      %ne3A_125 = arith.constant 0 : i32
      %ne3A_126 = vector.broadcast %ne3A_125 : i32 to vector<16xi32>
      %ne3A_127 = arith.cmpi ne, %rem3A_124, %ne3A_126 : vector<16xi32>
      %lt3A_128 = arith.constant 0 : i32
      %lt3A_129 = vector.broadcast %lt3A_128 : i32 to vector<16xi32>
      %lt3A_130 = arith.cmpi slt, %rem3A_124, %lt3A_129 : vector<16xi32>
      %lt3A_131 = arith.constant 0 : i32
      %lt3A_132 = arith.cmpi slt, %select_n3A_122, %lt3A_131 : i32
      %ne3A_133 = vector.broadcast %lt3A_132 : i1 to vector<16xi1>
      %ne3A_134 = vector.broadcast %ne3A_133 : vector<16xi1> to vector<16xi1>
      %ne3A_135 = arith.xori %lt3A_130, %ne3A_134 : vector<16xi1>
      %and3A_136 = arith.andi %ne3A_135, %ne3A_127 : vector<16xi1>
      %add3A_137 = vector.broadcast %select_n3A_122 : i32 to vector<16xi32>
      %add3A_138 = arith.addi %rem3A_124, %add3A_137 : vector<16xi32>
      %select_n3A_139 = arith.select %and3A_136, %add3A_138, %rem3A_124 : vector<16xi1>, vector<16xi32>
      %add3A_140 = arith.addi %add3A_117, %select_n3A_139 : vector<16xi32>
      %jit3A_141 = arith.constant 65536 : i32
      %div3A_142 = vector.broadcast %jit3A_141 : i32 to vector<16xi32>
      %div3A_143 = arith.divsi %get3A_36, %div3A_142 : vector<16xi32>
      %sign3A_144 = arith.constant 0 : i32
      %sign3A_145 = vector.broadcast %sign3A_144 : i32 to vector<16xi32>
      %sign3A_146 = arith.cmpi sgt, %get3A_36, %sign3A_145 : vector<16xi32>
      %sign3A_147 = arith.extui %sign3A_146 : vector<16xi1> to vector<16xi32>
      %sign3A_148 = arith.constant 0 : i32
      %sign3A_149 = vector.broadcast %sign3A_148 : i32 to vector<16xi32>
      %sign3A_150 = arith.cmpi slt, %get3A_36, %sign3A_149 : vector<16xi32>
      %sign3A_151 = arith.extui %sign3A_150 : vector<16xi1> to vector<16xi32>
      %sign3A_152 = arith.subi %sign3A_147, %sign3A_151 : vector<16xi32>
      %sign3A_153 = arith.constant 0 : i32
      %sign3A_154 = arith.cmpi sgt, %jit3A_141, %sign3A_153 : i32
      %sign3A_155 = arith.extui %sign3A_154 : i1 to i32
      %sign3A_156 = arith.constant 0 : i32
      %sign3A_157 = arith.cmpi slt, %jit3A_141, %sign3A_156 : i32
      %sign3A_158 = arith.extui %sign3A_157 : i1 to i32
      %sign3A_159 = arith.subi %sign3A_155, %sign3A_158 : i32
      %ne3A_160 = vector.broadcast %sign3A_159 : i32 to vector<16xi32>
      %ne3A_161 = arith.cmpi ne, %sign3A_152, %ne3A_160 : vector<16xi32>
      %rem3A_162 = vector.broadcast %jit3A_141 : i32 to vector<16xi32>
      %rem3A_163 = arith.remsi %get3A_36, %rem3A_162 : vector<16xi32>
      %ne3A_164 = arith.constant 0 : i32
      %ne3A_165 = vector.broadcast %ne3A_164 : i32 to vector<16xi32>
      %ne3A_166 = arith.cmpi ne, %rem3A_163, %ne3A_165 : vector<16xi32>
      %and3A_167 = arith.andi %ne3A_161, %ne3A_166 : vector<16xi1>
      %sub3A_168 = arith.constant 1 : i32
      %sub3A_169 = vector.broadcast %sub3A_168 : i32 to vector<16xi32>
      %sub3A_170 = arith.subi %div3A_143, %sub3A_169 : vector<16xi32>
      %select_n3A_171 = arith.select %and3A_167, %sub3A_170, %div3A_143 : vector<16xi1>, vector<16xi32>
      %mul3A_172 = arith.constant 1048576 : i32
      %mul3A_173 = vector.broadcast %mul3A_172 : i32 to vector<16xi32>
      %mul3A_174 = arith.muli %select_n3A_171, %mul3A_173 : vector<16xi32>
      %jit3A_175 = arith.constant 128 : i32
      %div3A_176 = vector.broadcast %jit3A_175 : i32 to vector<16xi32>
      %div3A_177 = arith.divsi %get3A_36, %div3A_176 : vector<16xi32>
      %sign3A_178 = arith.constant 0 : i32
      %sign3A_179 = vector.broadcast %sign3A_178 : i32 to vector<16xi32>
      %sign3A_180 = arith.cmpi sgt, %get3A_36, %sign3A_179 : vector<16xi32>
      %sign3A_181 = arith.extui %sign3A_180 : vector<16xi1> to vector<16xi32>
      %sign3A_182 = arith.constant 0 : i32
      %sign3A_183 = vector.broadcast %sign3A_182 : i32 to vector<16xi32>
      %sign3A_184 = arith.cmpi slt, %get3A_36, %sign3A_183 : vector<16xi32>
      %sign3A_185 = arith.extui %sign3A_184 : vector<16xi1> to vector<16xi32>
      %sign3A_186 = arith.subi %sign3A_181, %sign3A_185 : vector<16xi32>
      %sign3A_187 = arith.constant 0 : i32
      %sign3A_188 = arith.cmpi sgt, %jit3A_175, %sign3A_187 : i32
      %sign3A_189 = arith.extui %sign3A_188 : i1 to i32
      %sign3A_190 = arith.constant 0 : i32
      %sign3A_191 = arith.cmpi slt, %jit3A_175, %sign3A_190 : i32
      %sign3A_192 = arith.extui %sign3A_191 : i1 to i32
      %sign3A_193 = arith.subi %sign3A_189, %sign3A_192 : i32
      %ne3A_194 = vector.broadcast %sign3A_193 : i32 to vector<16xi32>
      %ne3A_195 = arith.cmpi ne, %sign3A_186, %ne3A_194 : vector<16xi32>
      %rem3A_196 = vector.broadcast %jit3A_175 : i32 to vector<16xi32>
      %rem3A_197 = arith.remsi %get3A_36, %rem3A_196 : vector<16xi32>
      %ne3A_198 = arith.constant 0 : i32
      %ne3A_199 = vector.broadcast %ne3A_198 : i32 to vector<16xi32>
      %ne3A_200 = arith.cmpi ne, %rem3A_197, %ne3A_199 : vector<16xi32>
      %and3A_201 = arith.andi %ne3A_195, %ne3A_200 : vector<16xi1>
      %sub3A_202 = arith.constant 1 : i32
      %sub3A_203 = vector.broadcast %sub3A_202 : i32 to vector<16xi32>
      %sub3A_204 = arith.subi %div3A_177, %sub3A_203 : vector<16xi32>
      %select_n3A_205 = arith.select %and3A_201, %sub3A_204, %div3A_177 : vector<16xi1>, vector<16xi32>
      %jit3A_206 = arith.constant 512 : i32
      %eq3A_207 = arith.constant 0 : i32
      %eq3A_208 = arith.cmpi eq, %jit3A_206, %eq3A_207 : i32
      %jit3A_209 = arith.constant 1 : i32
      %select_n3A_210 = arith.select %eq3A_208, %jit3A_209, %jit3A_206 : i32
      %rem3A_211 = vector.broadcast %select_n3A_210 : i32 to vector<16xi32>
      %rem3A_212 = arith.remsi %select_n3A_205, %rem3A_211 : vector<16xi32>
      %ne3A_213 = arith.constant 0 : i32
      %ne3A_214 = vector.broadcast %ne3A_213 : i32 to vector<16xi32>
      %ne3A_215 = arith.cmpi ne, %rem3A_212, %ne3A_214 : vector<16xi32>
      %lt3A_216 = arith.constant 0 : i32
      %lt3A_217 = vector.broadcast %lt3A_216 : i32 to vector<16xi32>
      %lt3A_218 = arith.cmpi slt, %rem3A_212, %lt3A_217 : vector<16xi32>
      %lt3A_219 = arith.constant 0 : i32
      %lt3A_220 = arith.cmpi slt, %select_n3A_210, %lt3A_219 : i32
      %ne3A_221 = vector.broadcast %lt3A_220 : i1 to vector<16xi1>
      %ne3A_222 = vector.broadcast %ne3A_221 : vector<16xi1> to vector<16xi1>
      %ne3A_223 = arith.xori %lt3A_218, %ne3A_222 : vector<16xi1>
      %and3A_224 = arith.andi %ne3A_223, %ne3A_215 : vector<16xi1>
      %add3A_225 = vector.broadcast %select_n3A_210 : i32 to vector<16xi32>
      %add3A_226 = arith.addi %rem3A_212, %add3A_225 : vector<16xi32>
      %select_n3A_227 = arith.select %and3A_224, %add3A_226, %rem3A_212 : vector<16xi1>, vector<16xi32>
      %mul3A_228 = arith.constant 1024 : i32
      %mul3A_229 = vector.broadcast %mul3A_228 : i32 to vector<16xi32>
      %mul3A_230 = arith.muli %select_n3A_227, %mul3A_229 : vector<16xi32>
      %add3A_231 = arith.addi %mul3A_174, %mul3A_230 : vector<16xi32>
      %jit3A_232 = arith.constant 128 : i32
      %eq3A_233 = arith.constant 0 : i32
      %eq3A_234 = arith.cmpi eq, %jit3A_232, %eq3A_233 : i32
      %jit3A_235 = arith.constant 1 : i32
      %select_n3A_236 = arith.select %eq3A_234, %jit3A_235, %jit3A_232 : i32
      %rem3A_237 = vector.broadcast %select_n3A_236 : i32 to vector<16xi32>
      %rem3A_238 = arith.remsi %get3A_36, %rem3A_237 : vector<16xi32>
      %ne3A_239 = arith.constant 0 : i32
      %ne3A_240 = vector.broadcast %ne3A_239 : i32 to vector<16xi32>
      %ne3A_241 = arith.cmpi ne, %rem3A_238, %ne3A_240 : vector<16xi32>
      %lt3A_242 = arith.constant 0 : i32
      %lt3A_243 = vector.broadcast %lt3A_242 : i32 to vector<16xi32>
      %lt3A_244 = arith.cmpi slt, %rem3A_238, %lt3A_243 : vector<16xi32>
      %lt3A_245 = arith.constant 0 : i32
      %lt3A_246 = arith.cmpi slt, %select_n3A_236, %lt3A_245 : i32
      %ne3A_247 = vector.broadcast %lt3A_246 : i1 to vector<16xi1>
      %ne3A_248 = vector.broadcast %ne3A_247 : vector<16xi1> to vector<16xi1>
      %ne3A_249 = arith.xori %lt3A_244, %ne3A_248 : vector<16xi1>
      %and3A_250 = arith.andi %ne3A_249, %ne3A_241 : vector<16xi1>
      %add3A_251 = vector.broadcast %select_n3A_236 : i32 to vector<16xi32>
      %add3A_252 = arith.addi %rem3A_238, %add3A_251 : vector<16xi32>
      %select_n3A_253 = arith.select %and3A_250, %add3A_252, %rem3A_238 : vector<16xi1>, vector<16xi32>
      %add3A_254 = arith.addi %add3A_231, %select_n3A_253 : vector<16xi32>
      %add3A_255 = arith.constant 0 : i32
      %add3A_256 = vector.broadcast %add3A_255 : i32 to vector<16xi32>
      %add3A_257 = arith.addi %add3A_140, %add3A_256 : vector<16xi32>
      %add3A_258 = arith.constant 0 : i32
      %add3A_259 = arith.addi %add3A_258, %mul3A_33 : i32
      %swap3A = arith.index_cast %add3A_259 : i32 to index
      %swap3A_260 = tpu.vector_load %arg11[%swap3A] {strides = array<i32>} : memref<8192xi32, #tpu.memory_space<vmem>>, vector<16xi32>,
      tpu.vector_store %arg11[%swap3A], %add3A_257 {strides = array<i32>} : memref<8192xi32, #tpu.memory_space<vmem>>, vector<16xi32>,
      %add3A_261 = arith.constant 0 : i32
      %add3A_262 = vector.broadcast %add3A_261 : i32 to vector<16xi32>
      %add3A_263 = arith.addi %add3A_254, %add3A_262 : vector<16xi32>
      %add3A_264 = arith.constant 0 : i32
      %add3A_265 = arith.addi %add3A_264, %mul3A_33 : i32
      %swap3A_266 = arith.index_cast %add3A_265 : i32 to index
      %swap3A_267 = tpu.vector_load %arg12[%swap3A_266] {strides = array<i32>} : memref<8192xi32, #tpu.memory_space<vmem>>, vector<16xi32>,
      tpu.vector_store %arg12[%swap3A_266], %add3A_263 {strides = array<i32>} : memref<8192xi32, #tpu.memory_space<vmem>>, vector<16xi32>,
      %add3A_268 = arith.constant 128 : i32
      %add3A_269 = vector.broadcast %add3A_268 : i32 to vector<16xi32>
      %add3A_270 = arith.addi %add3A_140, %add3A_269 : vector<16xi32>
      %add3A_271 = arith.constant 512 : i32
      %add3A_272 = arith.addi %add3A_271, %mul3A_33 : i32
      %swap3A_273 = arith.index_cast %add3A_272 : i32 to index
      %swap3A_274 = tpu.vector_load %arg11[%swap3A_273] {strides = array<i32>} : memref<8192xi32, #tpu.memory_space<vmem>>, vector<16xi32>,
      tpu.vector_store %arg11[%swap3A_273], %add3A_270 {strides = array<i32>} : memref<8192xi32, #tpu.memory_space<vmem>>, vector<16xi32>,
      %add3A_275 = arith.constant 128 : i32
      %add3A_276 = vector.broadcast %add3A_275 : i32 to vector<16xi32>
      %add3A_277 = arith.addi %add3A_254, %add3A_276 : vector<16xi32>
      %add3A_278 = arith.constant 512 : i32
      %add3A_279 = arith.addi %add3A_278, %mul3A_33 : i32
      %swap3A_280 = arith.index_cast %add3A_279 : i32 to index
      %swap3A_281 = tpu.vector_load %arg12[%swap3A_280] {strides = array<i32>} : memref<8192xi32, #tpu.memory_space<vmem>>, vector<16xi32>,
      tpu.vector_store %arg12[%swap3A_280], %add3A_277 {strides = array<i32>} : memref<8192xi32, #tpu.memory_space<vmem>>, vector<16xi32>,
      %add3A_282 = arith.constant 256 : i32
      %add3A_283 = vector.broadcast %add3A_282 : i32 to vector<16xi32>
      %add3A_284 = arith.addi %add3A_140, %add3A_283 : vector<16xi32>
      %add3A_285 = arith.constant 1024 : i32
      %add3A_286 = arith.addi %add3A_285, %mul3A_33 : i32
      %swap3A_287 = arith.index_cast %add3A_286 : i32 to index
      %swap3A_288 = tpu.vector_load %arg11[%swap3A_287] {strides = array<i32>} : memref<8192xi32, #tpu.memory_space<vmem>>, vector<16xi32>,
      tpu.vector_store %arg11[%swap3A_287], %add3A_284 {strides = array<i32>} : memref<8192xi32, #tpu.memory_space<vmem>>, vector<16xi32>,
      %add3A_289 = arith.constant 256 : i32
      %add3A_290 = vector.broadcast %add3A_289 : i32 to vector<16xi32>
      %add3A_291 = arith.addi %add3A_254, %add3A_290 : vector<16xi32>
      %add3A_292 = arith.constant 1024 : i32
      %add3A_293 = arith.addi %add3A_292, %mul3A_33 : i32
      %swap3A_294 = arith.index_cast %add3A_293 : i32 to index
      %swap3A_295 = tpu.vector_load %arg12[%swap3A_294] {strides = array<i32>} : memref<8192xi32, #tpu.memory_space<vmem>>, vector<16xi32>,
      tpu.vector_store %arg12[%swap3A_294], %add3A_291 {strides = array<i32>} : memref<8192xi32, #tpu.memory_space<vmem>>, vector<16xi32>,
      %add3A_296 = arith.constant 384 : i32
      %add3A_297 = vector.broadcast %add3A_296 : i32 to vector<16xi32>
      %add3A_298 = arith.addi %add3A_140, %add3A_297 : vector<16xi32>
      %add3A_299 = arith.constant 1536 : i32
      %add3A_300 = arith.addi %add3A_299, %mul3A_33 : i32
      %swap3A_301 = arith.index_cast %add3A_300 : i32 to index
      %swap3A_302 = tpu.vector_load %arg11[%swap3A_301] {strides = array<i32>} : memref<8192xi32, #tpu.memory_space<vmem>>, vector<16xi32>,
      tpu.vector_store %arg11[%swap3A_301], %add3A_298 {strides = array<i32>} : memref<8192xi32, #tpu.memory_space<vmem>>, vector<16xi32>,
      %add3A_303 = arith.constant 384 : i32
      %add3A_304 = vector.broadcast %add3A_303 : i32 to vector<16xi32>
      %add3A_305 = arith.addi %add3A_254, %add3A_304 : vector<16xi32>
      %add3A_306 = arith.constant 1536 : i32
      %add3A_307 = arith.addi %add3A_306, %mul3A_33 : i32
      %swap3A_308 = arith.index_cast %add3A_307 : i32 to index
      %swap3A_309 = tpu.vector_load %arg12[%swap3A_308] {strides = array<i32>} : memref<8192xi32, #tpu.memory_space<vmem>>, vector<16xi32>,
      tpu.vector_store %arg12[%swap3A_308], %add3A_305 {strides = array<i32>} : memref<8192xi32, #tpu.memory_space<vmem>>, vector<16xi32>,
      %add3A_310 = arith.constant 512 : i32
      %add3A_311 = vector.broadcast %add3A_310 : i32 to vector<16xi32>
      %add3A_312 = arith.addi %add3A_140, %add3A_311 : vector<16xi32>
      %add3A_313 = arith.constant 2048 : i32
      %add3A_314 = arith.addi %add3A_313, %mul3A_33 : i32
      %swap3A_315 = arith.index_cast %add3A_314 : i32 to index
      %swap3A_316 = tpu.vector_load %arg11[%swap3A_315] {strides = array<i32>} : memref<8192xi32, #tpu.memory_space<vmem>>, vector<16xi32>,
      tpu.vector_store %arg11[%swap3A_315], %add3A_312 {strides = array<i32>} : memref<8192xi32, #tpu.memory_space<vmem>>, vector<16xi32>,
      %add3A_317 = arith.constant 512 : i32
      %add3A_318 = vector.broadcast %add3A_317 : i32 to vector<16xi32>
      %add3A_319 = arith.addi %add3A_254, %add3A_318 : vector<16xi32>
      %add3A_320 = arith.constant 2048 : i32
      %add3A_321 = arith.addi %add3A_320, %mul3A_33 : i32
      %swap3A_322 = arith.index_cast %add3A_321 : i32 to index
      %swap3A_323 = tpu.vector_load %arg12[%swap3A_322] {strides = array<i32>} : memref<8192xi32, #tpu.memory_space<vmem>>, vector<16xi32>,
      tpu.vector_store %arg12[%swap3A_322], %add3A_319 {strides = array<i32>} : memref<8192xi32, #tpu.memory_space<vmem>>, vector<16xi32>,
      %add3A_324 = arith.constant 640 : i32
      %add3A_325 = vector.broadcast %add3A_324 : i32 to vector<16xi32>
      %add3A_326 = arith.addi %add3A_140, %add3A_325 : vector<16xi32>
      %add3A_327 = arith.constant 2560 : i32
      %add3A_328 = arith.addi %add3A_327, %mul3A_33 : i32
      %swap3A_329 = arith.index_cast %add3A_328 : i32 to index
      %swap3A_330 = tpu.vector_load %arg11[%swap3A_329] {strides = array<i32>} : memref<8192xi32, #tpu.memory_space<vmem>>, vector<16xi32>,
      tpu.vector_store %arg11[%swap3A_329], %add3A_326 {strides = array<i32>} : memref<8192xi32, #tpu.memory_space<vmem>>, vector<16xi32>,
      %add3A_331 = arith.constant 640 : i32
      %add3A_332 = vector.broadcast %add3A_331 : i32 to vector<16xi32>
      %add3A_333 = arith.addi %add3A_254, %add3A_332 : vector<16xi32>
      %add3A_334 = arith.constant 2560 : i32
      %add3A_335 = arith.addi %add3A_334, %mul3A_33 : i32
      %swap3A_336 = arith.index_cast %add3A_335 : i32 to index
      %swap3A_337 = tpu.vector_load %arg12[%swap3A_336] {strides = array<i32>} : memref<8192xi32, #tpu.memory_space<vmem>>, vector<16xi32>,
      tpu.vector_store %arg12[%swap3A_336], %add3A_333 {strides = array<i32>} : memref<8192xi32, #tpu.memory_space<vmem>>, vector<16xi32>,
      %add3A_338 = arith.constant 768 : i32
      %add3A_339 = vector.broadcast %add3A_338 : i32 to vector<16xi32>
      %add3A_340 = arith.addi %add3A_140, %add3A_339 : vector<16xi32>
      %add3A_341 = arith.constant 3072 : i32
      %add3A_342 = arith.addi %add3A_341, %mul3A_33 : i32
      %swap3A_343 = arith.index_cast %add3A_342 : i32 to index
      %swap3A_344 = tpu.vector_load %arg11[%swap3A_343] {strides = array<i32>} : memref<8192xi32, #tpu.memory_space<vmem>>, vector<16xi32>,
      tpu.vector_store %arg11[%swap3A_343], %add3A_340 {strides = array<i32>} : memref<8192xi32, #tpu.memory_space<vmem>>, vector<16xi32>,
      %add3A_345 = arith.constant 768 : i32
      %add3A_346 = vector.broadcast %add3A_345 : i32 to vector<16xi32>
      %add3A_347 = arith.addi %add3A_254, %add3A_346 : vector<16xi32>
      %add3A_348 = arith.constant 3072 : i32
      %add3A_349 = arith.addi %add3A_348, %mul3A_33 : i32
      %swap3A_350 = arith.index_cast %add3A_349 : i32 to index
      %swap3A_351 = tpu.vector_load %arg12[%swap3A_350] {strides = array<i32>} : memref<8192xi32, #tpu.memory_space<vmem>>, vector<16xi32>,
      tpu.vector_store %arg12[%swap3A_350], %add3A_347 {strides = array<i32>} : memref<8192xi32, #tpu.memory_space<vmem>>, vector<16xi32>,
      %add3A_352 = arith.constant 896 : i32
      %add3A_353 = vector.broadcast %add3A_352 : i32 to vector<16xi32>
      %add3A_354 = arith.addi %add3A_140, %add3A_353 : vector<16xi32>
      %add3A_355 = arith.constant 3584 : i32
      %add3A_356 = arith.addi %add3A_355, %mul3A_33 : i32
      %swap3A_357 = arith.index_cast %add3A_356 : i32 to index
      %swap3A_358 = tpu.vector_load %arg11[%swap3A_357] {strides = array<i32>} : memref<8192xi32, #tpu.memory_space<vmem>>, vector<16xi32>,
      tpu.vector_store %arg11[%swap3A_357], %add3A_354 {strides = array<i32>} : memref<8192xi32, #tpu.memory_space<vmem>>, vector<16xi32>,
      %add3A_359 = arith.constant 896 : i32
      %add3A_360 = vector.broadcast %add3A_359 : i32 to vector<16xi32>
      %add3A_361 = arith.addi %add3A_254, %add3A_360 : vector<16xi32>
      %add3A_362 = arith.constant 3584 : i32
      %add3A_363 = arith.addi %add3A_362, %mul3A_33 : i32
      %swap3A_364 = arith.index_cast %add3A_363 : i32 to index
      %swap3A_365 = tpu.vector_load %arg12[%swap3A_364] {strides = array<i32>} : memref<8192xi32, #tpu.memory_space<vmem>>, vector<16xi32>,
      tpu.vector_store %arg12[%swap3A_364], %add3A_361 {strides = array<i32>} : memref<8192xi32, #tpu.memory_space<vmem>>, vector<16xi32>,
      %add3A_366 = arith.constant 524288 : i32
      %add3A_367 = vector.broadcast %add3A_366 : i32 to vector<16xi32>
      %add3A_368 = arith.addi %add3A_140, %add3A_367 : vector<16xi32>
      %add3A_369 = arith.constant 4096 : i32
      %add3A_370 = arith.addi %add3A_369, %mul3A_33 : i32
      %swap3A_371 = arith.index_cast %add3A_370 : i32 to index
      %swap3A_372 = tpu.vector_load %arg11[%swap3A_371] {strides = array<i32>} : memref<8192xi32, #tpu.memory_space<vmem>>, vector<16xi32>,
      tpu.vector_store %arg11[%swap3A_371], %add3A_368 {strides = array<i32>} : memref<8192xi32, #tpu.memory_space<vmem>>, vector<16xi32>,
      %add3A_373 = arith.constant 524288 : i32
      %add3A_374 = vector.broadcast %add3A_373 : i32 to vector<16xi32>
      %add3A_375 = arith.addi %add3A_254, %add3A_374 : vector<16xi32>
      %add3A_376 = arith.constant 4096 : i32
      %add3A_377 = arith.addi %add3A_376, %mul3A_33 : i32
      %swap3A_378 = arith.index_cast %add3A_377 : i32 to index
      %swap3A_379 = tpu.vector_load %arg12[%swap3A_378] {strides = array<i32>} : memref<8192xi32, #tpu.memory_space<vmem>>, vector<16xi32>,
      tpu.vector_store %arg12[%swap3A_378], %add3A_375 {strides = array<i32>} : memref<8192xi32, #tpu.memory_space<vmem>>, vector<16xi32>,
      %add3A_380 = arith.constant 524416 : i32
      %add3A_381 = vector.broadcast %add3A_380 : i32 to vector<16xi32>
      %add3A_382 = arith.addi %add3A_140, %add3A_381 : vector<16xi32>
      %add3A_383 = arith.constant 4608 : i32
      %add3A_384 = arith.addi %add3A_383, %mul3A_33 : i32
      %swap3A_385 = arith.index_cast %add3A_384 : i32 to index
      %swap3A_386 = tpu.vector_load %arg11[%swap3A_385] {strides = array<i32>} : memref<8192xi32, #tpu.memory_space<vmem>>, vector<16xi32>,
      tpu.vector_store %arg11[%swap3A_385], %add3A_382 {strides = array<i32>} : memref<8192xi32, #tpu.memory_space<vmem>>, vector<16xi32>,
      %add3A_387 = arith.constant 524416 : i32
      %add3A_388 = vector.broadcast %add3A_387 : i32 to vector<16xi32>
      %add3A_389 = arith.addi %add3A_254, %add3A_388 : vector<16xi32>
      %add3A_390 = arith.constant 4608 : i32
      %add3A_391 = arith.addi %add3A_390, %mul3A_33 : i32
      %swap3A_392 = arith.index_cast %add3A_391 : i32 to index
      %swap3A_393 = tpu.vector_load %arg12[%swap3A_392] {strides = array<i32>} : memref<8192xi32, #tpu.memory_space<vmem>>, vector<16xi32>,
      tpu.vector_store %arg12[%swap3A_392], %add3A_389 {strides = array<i32>} : memref<8192xi32, #tpu.memory_space<vmem>>, vector<16xi32>,
      %add3A_394 = arith.constant 524544 : i32
      %add3A_395 = vector.broadcast %add3A_394 : i32 to vector<16xi32>
      %add3A_396 = arith.addi %add3A_140, %add3A_395 : vector<16xi32>
      %add3A_397 = arith.constant 5120 : i32
      %add3A_398 = arith.addi %add3A_397, %mul3A_33 : i32
      %swap3A_399 = arith.index_cast %add3A_398 : i32 to index
      %swap3A_400 = tpu.vector_load %arg11[%swap3A_399] {strides = array<i32>} : memref<8192xi32, #tpu.memory_space<vmem>>, vector<16xi32>,
      tpu.vector_store %arg11[%swap3A_399], %add3A_396 {strides = array<i32>} : memref<8192xi32, #tpu.memory_space<vmem>>, vector<16xi32>,
      %add3A_401 = arith.constant 524544 : i32
      %add3A_402 = vector.broadcast %add3A_401 : i32 to vector<16xi32>
      %add3A_403 = arith.addi %add3A_254, %add3A_402 : vector<16xi32>
      %add3A_404 = arith.constant 5120 : i32
      %add3A_405 = arith.addi %add3A_404, %mul3A_33 : i32
      %swap3A_406 = arith.index_cast %add3A_405 : i32 to index
      %swap3A_407 = tpu.vector_load %arg12[%swap3A_406] {strides = array<i32>} : memref<8192xi32, #tpu.memory_space<vmem>>, vector<16xi32>,
      tpu.vector_store %arg12[%swap3A_406], %add3A_403 {strides = array<i32>} : memref<8192xi32, #tpu.memory_space<vmem>>, vector<16xi32>,
      %add3A_408 = arith.constant 524672 : i32
      %add3A_409 = vector.broadcast %add3A_408 : i32 to vector<16xi32>
      %add3A_410 = arith.addi %add3A_140, %add3A_409 : vector<16xi32>
      %add3A_411 = arith.constant 5632 : i32
      %add3A_412 = arith.addi %add3A_411, %mul3A_33 : i32
      %swap3A_413 = arith.index_cast %add3A_412 : i32 to index
      %swap3A_414 = tpu.vector_load %arg11[%swap3A_413] {strides = array<i32>} : memref<8192xi32, #tpu.memory_space<vmem>>, vector<16xi32>,
      tpu.vector_store %arg11[%swap3A_413], %add3A_410 {strides = array<i32>} : memref<8192xi32, #tpu.memory_space<vmem>>, vector<16xi32>,
      %add3A_415 = arith.constant 524672 : i32
      %add3A_416 = vector.broadcast %add3A_415 : i32 to vector<16xi32>
      %add3A_417 = arith.addi %add3A_254, %add3A_416 : vector<16xi32>
      %add3A_418 = arith.constant 5632 : i32
      %add3A_419 = arith.addi %add3A_418, %mul3A_33 : i32
      %swap3A_420 = arith.index_cast %add3A_419 : i32 to index
      %swap3A_421 = tpu.vector_load %arg12[%swap3A_420] {strides = array<i32>} : memref<8192xi32, #tpu.memory_space<vmem>>, vector<16xi32>,
      tpu.vector_store %arg12[%swap3A_420], %add3A_417 {strides = array<i32>} : memref<8192xi32, #tpu.memory_space<vmem>>, vector<16xi32>,
      %add3A_422 = arith.constant 524800 : i32
      %add3A_423 = vector.broadcast %add3A_422 : i32 to vector<16xi32>
      %add3A_424 = arith.addi %add3A_140, %add3A_423 : vector<16xi32>
      %add3A_425 = arith.constant 6144 : i32
      %add3A_426 = arith.addi %add3A_425, %mul3A_33 : i32
      %swap3A_427 = arith.index_cast %add3A_426 : i32 to index
      %swap3A_428 = tpu.vector_load %arg11[%swap3A_427] {strides = array<i32>} : memref<8192xi32, #tpu.memory_space<vmem>>, vector<16xi32>,
      tpu.vector_store %arg11[%swap3A_427], %add3A_424 {strides = array<i32>} : memref<8192xi32, #tpu.memory_space<vmem>>, vector<16xi32>,
      %add3A_429 = arith.constant 524800 : i32
      %add3A_430 = vector.broadcast %add3A_429 : i32 to vector<16xi32>
      %add3A_431 = arith.addi %add3A_254, %add3A_430 : vector<16xi32>
      %add3A_432 = arith.constant 6144 : i32
      %add3A_433 = arith.addi %add3A_432, %mul3A_33 : i32
      %swap3A_434 = arith.index_cast %add3A_433 : i32 to index
      %swap3A_435 = tpu.vector_load %arg12[%swap3A_434] {strides = array<i32>} : memref<8192xi32, #tpu.memory_space<vmem>>, vector<16xi32>,
      tpu.vector_store %arg12[%swap3A_434], %add3A_431 {strides = array<i32>} : memref<8192xi32, #tpu.memory_space<vmem>>, vector<16xi32>,
      %add3A_436 = arith.constant 524928 : i32
      %add3A_437 = vector.broadcast %add3A_436 : i32 to vector<16xi32>
      %add3A_438 = arith.addi %add3A_140, %add3A_437 : vector<16xi32>
      %add3A_439 = arith.constant 6656 : i32
      %add3A_440 = arith.addi %add3A_439, %mul3A_33 : i32
      %swap3A_441 = arith.index_cast %add3A_440 : i32 to index
      %swap3A_442 = tpu.vector_load %arg11[%swap3A_441] {strides = array<i32>} : memref<8192xi32, #tpu.memory_space<vmem>>, vector<16xi32>,
      tpu.vector_store %arg11[%swap3A_441], %add3A_438 {strides = array<i32>} : memref<8192xi32, #tpu.memory_space<vmem>>, vector<16xi32>,
      %add3A_443 = arith.constant 524928 : i32
      %add3A_444 = vector.broadcast %add3A_443 : i32 to vector<16xi32>
      %add3A_445 = arith.addi %add3A_254, %add3A_444 : vector<16xi32>
      %add3A_446 = arith.constant 6656 : i32
      %add3A_447 = arith.addi %add3A_446, %mul3A_33 : i32
      %swap3A_448 = arith.index_cast %add3A_447 : i32 to index
      %swap3A_449 = tpu.vector_load %arg12[%swap3A_448] {strides = array<i32>} : memref<8192xi32, #tpu.memory_space<vmem>>, vector<16xi32>,
      tpu.vector_store %arg12[%swap3A_448], %add3A_445 {strides = array<i32>} : memref<8192xi32, #tpu.memory_space<vmem>>, vector<16xi32>,
      %add3A_450 = arith.constant 525056 : i32
      %add3A_451 = vector.broadcast %add3A_450 : i32 to vector<16xi32>
      %add3A_452 = arith.addi %add3A_140, %add3A_451 : vector<16xi32>
      %add3A_453 = arith.constant 7168 : i32
      %add3A_454 = arith.addi %add3A_453, %mul3A_33 : i32
      %swap3A_455 = arith.index_cast %add3A_454 : i32 to index
      %swap3A_456 = tpu.vector_load %arg11[%swap3A_455] {strides = array<i32>} : memref<8192xi32, #tpu.memory_space<vmem>>, vector<16xi32>,
      tpu.vector_store %arg11[%swap3A_455], %add3A_452 {strides = array<i32>} : memref<8192xi32, #tpu.memory_space<vmem>>, vector<16xi32>,
      %add3A_457 = arith.constant 525056 : i32
      %add3A_458 = vector.broadcast %add3A_457 : i32 to vector<16xi32>
      %add3A_459 = arith.addi %add3A_254, %add3A_458 : vector<16xi32>
      %add3A_460 = arith.constant 7168 : i32
      %add3A_461 = arith.addi %add3A_460, %mul3A_33 : i32
      %swap3A_462 = arith.index_cast %add3A_461 : i32 to index
      %swap3A_463 = tpu.vector_load %arg12[%swap3A_462] {strides = array<i32>} : memref<8192xi32, #tpu.memory_space<vmem>>, vector<16xi32>,
      tpu.vector_store %arg12[%swap3A_462], %add3A_459 {strides = array<i32>} : memref<8192xi32, #tpu.memory_space<vmem>>, vector<16xi32>,
      %add3A_464 = arith.constant 525184 : i32
      %add3A_465 = vector.broadcast %add3A_464 : i32 to vector<16xi32>
      %add3A_466 = arith.addi %add3A_140, %add3A_465 : vector<16xi32>
      %add3A_467 = arith.constant 7680 : i32
      %add3A_468 = arith.addi %add3A_467, %mul3A_33 : i32
      %swap3A_469 = arith.index_cast %add3A_468 : i32 to index
      %swap3A_470 = tpu.vector_load %arg11[%swap3A_469] {strides = array<i32>} : memref<8192xi32, #tpu.memory_space<vmem>>, vector<16xi32>,
      tpu.vector_store %arg11[%swap3A_469], %add3A_466 {strides = array<i32>} : memref<8192xi32, #tpu.memory_space<vmem>>, vector<16xi32>,
      %add3A_471 = arith.constant 525184 : i32
      %add3A_472 = vector.broadcast %add3A_471 : i32 to vector<16xi32>
      %add3A_473 = arith.addi %add3A_254, %add3A_472 : vector<16xi32>
      %add3A_474 = arith.constant 7680 : i32
      %add3A_475 = arith.addi %add3A_474, %mul3A_33 : i32
      %swap3A_476 = arith.index_cast %add3A_475 : i32 to index
      %swap3A_477 = tpu.vector_load %arg12[%swap3A_476] {strides = array<i32>} : memref<8192xi32, #tpu.memory_space<vmem>>, vector<16xi32>,
      tpu.vector_store %arg12[%swap3A_476], %add3A_473 {strides = array<i32>} : memref<8192xi32, #tpu.memory_space<vmem>>, vector<16xi32>,
      %scan3A_478 = arith.constant 0 : i32
      scf.yield %scan3A_478 : i32
    }
    %scan3A_11 = arith.constant 32 : i32
    %dma_start3A_12 = arith.constant 0 : i32
    %dma_start3A_13 = tpu.memref_slice %arg4[%dma_start3A_12] : memref<16777216xf32, #tpu.memory_space<hbm>> -> memref<16777216xf32, #tpu.memory_space<hbm>>
    tpu.enqueue_indirect_dma source(%dma_start3A_13 : memref<16777216xf32, #tpu.memory_space<hbm>>) target(%arg13 : memref<8192xf32, #tpu.memory_space<vmem>>) offsets(%arg11 : memref<8192xi32, #tpu.memory_space<vmem>>) semaphore(%arg18 : memref<!tpu.dma_semaphore, #tpu.memory_space<semaphore_mem>>)
    %dma_start3A_14 = arith.constant 0 : i32
    %dma_start3A_15 = tpu.memref_slice %arg5[%dma_start3A_14] : memref<2097152xf32, #tpu.memory_space<hbm>> -> memref<2097152xf32, #tpu.memory_space<hbm>>
    tpu.enqueue_indirect_dma source(%dma_start3A_15 : memref<2097152xf32, #tpu.memory_space<hbm>>) target(%arg14 : memref<8192xf32, #tpu.memory_space<vmem>>) offsets(%arg12 : memref<8192xi32, #tpu.memory_space<vmem>>) semaphore(%arg18 : memref<!tpu.dma_semaphore, #tpu.memory_space<semaphore_mem>>)
    %dma_wait3A = arith.constant 0 : i32
    %dma_wait3A_16 = tpu.memref_slice %arg4[%dma_wait3A] : memref<16777216xf32, #tpu.memory_space<hbm>> -> memref<16777216xf32, #tpu.memory_space<hbm>>
    tpu.wait_indirect_dma semaphore(%arg18 : memref<!tpu.dma_semaphore, #tpu.memory_space<semaphore_mem>>) src(%dma_wait3A_16 : memref<16777216xf32, #tpu.memory_space<hbm>>) dst(%arg13 : memref<8192xf32, #tpu.memory_space<vmem>>)
    %dma_wait3A_17 = arith.constant 0 : i32
    %dma_wait3A_18 = tpu.memref_slice %arg5[%dma_wait3A_17] : memref<2097152xf32, #tpu.memory_space<hbm>> -> memref<2097152xf32, #tpu.memory_space<hbm>>
    tpu.wait_indirect_dma semaphore(%arg18 : memref<!tpu.dma_semaphore, #tpu.memory_space<semaphore_mem>>) src(%dma_wait3A_18 : memref<2097152xf32, #tpu.memory_space<hbm>>) dst(%arg14 : memref<8192xf32, #tpu.memory_space<vmem>>)
    %dma_wait3A_19 = arith.constant 0 : i32
    %dma_wait3A_20 = tpu.memref_slice %arg6[%dma_wait3A_19] : memref<1048576xf32, #tpu.memory_space<hbm>> -> memref<1048576xf32, #tpu.memory_space<hbm>>
    tpu.wait_indirect_dma semaphore(%arg18 : memref<!tpu.dma_semaphore, #tpu.memory_space<semaphore_mem>>) src(%dma_wait3A_20 : memref<1048576xf32, #tpu.memory_space<hbm>>) dst(%arg15 : memref<512xf32, #tpu.memory_space<vmem>>)
    %dma_wait3A_21 = arith.constant 0 : i32
    %dma_wait3A_22 = tpu.memref_slice %arg7[%dma_wait3A_21] : memref<131072xf32, #tpu.memory_space<hbm>> -> memref<131072xf32, #tpu.memory_space<hbm>>
    tpu.wait_indirect_dma semaphore(%arg18 : memref<!tpu.dma_semaphore, #tpu.memory_space<semaphore_mem>>) src(%dma_wait3A_22 : memref<131072xf32, #tpu.memory_space<hbm>>) dst(%arg16 : memref<512xf32, #tpu.memory_space<vmem>>)
    %scan3A_23 = arith.constant 0 : i32
    %scan3A_24 = arith.constant 0 : i32
    %scan3A_25 = arith.constant 32 : i32
    %scan3A_26 = arith.addi %scan3A_24, %scan3A_25 : i32
    %scan3A_27 = arith.constant 1 : i32
    %scan3A_28 = scf.for %scan3A_30 = %scan3A_24 to %scan3A_26 step %scan3A_27 iter_args(%scan3A_31 = %scan3A_23) -> (i32)  : i32 {
      %mul3A_32 = arith.constant 16 : i32
      %mul3A_33 = arith.muli %scan3A_30, %mul3A_32 : i32
      %get3A = arith.index_cast %mul3A_33 : i32 to index
      %get3A_34 = tpu.vector_load %arg15[%get3A] {strides = array<i32>} : memref<512xf32, #tpu.memory_space<vmem>>, vector<16xf32>,
      %get3A_35 = arith.index_cast %mul3A_33 : i32 to index
      %get3A_36 = tpu.vector_load %arg16[%get3A_35] {strides = array<i32>} : memref<512xf32, #tpu.memory_space<vmem>>, vector<16xf32>,
      %add3A_37 = arith.addf %get3A_34, %get3A_36 : vector<16xf32>
      %add3A_38 = arith.constant 0 : i32
      %add3A_39 = arith.addi %add3A_38, %mul3A_33 : i32
      %get3A_40 = arith.index_cast %add3A_39 : i32 to index
      %get3A_41 = tpu.vector_load %arg13[%get3A_40] {strides = array<i32>} : memref<8192xf32, #tpu.memory_space<vmem>>, vector<16xf32>,
      %add3A_42 = arith.constant 0 : i32
      %add3A_43 = arith.addi %add3A_42, %mul3A_33 : i32
      %get3A_44 = arith.index_cast %add3A_43 : i32 to index
      %get3A_45 = tpu.vector_load %arg14[%get3A_44] {strides = array<i32>} : memref<8192xf32, #tpu.memory_space<vmem>>, vector<16xf32>,
      %mul3A_46 = arith.mulf %get3A_41, %get3A_45 : vector<16xf32>
      %add3A_47 = arith.addf %add3A_37, %mul3A_46 : vector<16xf32>
      %add3A_48 = arith.constant 512 : i32
      %add3A_49 = arith.addi %add3A_48, %mul3A_33 : i32
      %get3A_50 = arith.index_cast %add3A_49 : i32 to index
      %get3A_51 = tpu.vector_load %arg13[%get3A_50] {strides = array<i32>} : memref<8192xf32, #tpu.memory_space<vmem>>, vector<16xf32>,
      %add3A_52 = arith.constant 512 : i32
      %add3A_53 = arith.addi %add3A_52, %mul3A_33 : i32
      %get3A_54 = arith.index_cast %add3A_53 : i32 to index
      %get3A_55 = tpu.vector_load %arg14[%get3A_54] {strides = array<i32>} : memref<8192xf32, #tpu.memory_space<vmem>>, vector<16xf32>,
      %mul3A_56 = arith.mulf %get3A_51, %get3A_55 : vector<16xf32>
      %add3A_57 = arith.addf %add3A_47, %mul3A_56 : vector<16xf32>
      %add3A_58 = arith.constant 1024 : i32
      %add3A_59 = arith.addi %add3A_58, %mul3A_33 : i32
      %get3A_60 = arith.index_cast %add3A_59 : i32 to index
      %get3A_61 = tpu.vector_load %arg13[%get3A_60] {strides = array<i32>} : memref<8192xf32, #tpu.memory_space<vmem>>, vector<16xf32>,
      %add3A_62 = arith.constant 1024 : i32
      %add3A_63 = arith.addi %add3A_62, %mul3A_33 : i32
      %get3A_64 = arith.index_cast %add3A_63 : i32 to index
      %get3A_65 = tpu.vector_load %arg14[%get3A_64] {strides = array<i32>} : memref<8192xf32, #tpu.memory_space<vmem>>, vector<16xf32>,
      %mul3A_66 = arith.mulf %get3A_61, %get3A_65 : vector<16xf32>
      %add3A_67 = arith.addf %add3A_57, %mul3A_66 : vector<16xf32>
      %add3A_68 = arith.constant 1536 : i32
      %add3A_69 = arith.addi %add3A_68, %mul3A_33 : i32
      %get3A_70 = arith.index_cast %add3A_69 : i32 to index
      %get3A_71 = tpu.vector_load %arg13[%get3A_70] {strides = array<i32>} : memref<8192xf32, #tpu.memory_space<vmem>>, vector<16xf32>,
      %add3A_72 = arith.constant 1536 : i32
      %add3A_73 = arith.addi %add3A_72, %mul3A_33 : i32
      %get3A_74 = arith.index_cast %add3A_73 : i32 to index
      %get3A_75 = tpu.vector_load %arg14[%get3A_74] {strides = array<i32>} : memref<8192xf32, #tpu.memory_space<vmem>>, vector<16xf32>,
      %mul3A_76 = arith.mulf %get3A_71, %get3A_75 : vector<16xf32>
      %add3A_77 = arith.addf %add3A_67, %mul3A_76 : vector<16xf32>
      %add3A_78 = arith.constant 2048 : i32
      %add3A_79 = arith.addi %add3A_78, %mul3A_33 : i32
      %get3A_80 = arith.index_cast %add3A_79 : i32 to index
      %get3A_81 = tpu.vector_load %arg13[%get3A_80] {strides = array<i32>} : memref<8192xf32, #tpu.memory_space<vmem>>, vector<16xf32>,
      %add3A_82 = arith.constant 2048 : i32
      %add3A_83 = arith.addi %add3A_82, %mul3A_33 : i32
      %get3A_84 = arith.index_cast %add3A_83 : i32 to index
      %get3A_85 = tpu.vector_load %arg14[%get3A_84] {strides = array<i32>} : memref<8192xf32, #tpu.memory_space<vmem>>, vector<16xf32>,
      %mul3A_86 = arith.mulf %get3A_81, %get3A_85 : vector<16xf32>
      %add3A_87 = arith.addf %add3A_77, %mul3A_86 : vector<16xf32>
      %add3A_88 = arith.constant 2560 : i32
      %add3A_89 = arith.addi %add3A_88, %mul3A_33 : i32
      %get3A_90 = arith.index_cast %add3A_89 : i32 to index
      %get3A_91 = tpu.vector_load %arg13[%get3A_90] {strides = array<i32>} : memref<8192xf32, #tpu.memory_space<vmem>>, vector<16xf32>,
      %add3A_92 = arith.constant 2560 : i32
      %add3A_93 = arith.addi %add3A_92, %mul3A_33 : i32
      %get3A_94 = arith.index_cast %add3A_93 : i32 to index
      %get3A_95 = tpu.vector_load %arg14[%get3A_94] {strides = array<i32>} : memref<8192xf32, #tpu.memory_space<vmem>>, vector<16xf32>,
      %mul3A_96 = arith.mulf %get3A_91, %get3A_95 : vector<16xf32>
      %add3A_97 = arith.addf %add3A_87, %mul3A_96 : vector<16xf32>
      %add3A_98 = arith.constant 3072 : i32
      %add3A_99 = arith.addi %add3A_98, %mul3A_33 : i32
      %get3A_100 = arith.index_cast %add3A_99 : i32 to index
      %get3A_101 = tpu.vector_load %arg13[%get3A_100] {strides = array<i32>} : memref<8192xf32, #tpu.memory_space<vmem>>, vector<16xf32>,
      %add3A_102 = arith.constant 3072 : i32
      %add3A_103 = arith.addi %add3A_102, %mul3A_33 : i32
      %get3A_104 = arith.index_cast %add3A_103 : i32 to index
      %get3A_105 = tpu.vector_load %arg14[%get3A_104] {strides = array<i32>} : memref<8192xf32, #tpu.memory_space<vmem>>, vector<16xf32>,
      %mul3A_106 = arith.mulf %get3A_101, %get3A_105 : vector<16xf32>
      %add3A_107 = arith.addf %add3A_97, %mul3A_106 : vector<16xf32>
      %add3A_108 = arith.constant 3584 : i32
      %add3A_109 = arith.addi %add3A_108, %mul3A_33 : i32
      %get3A_110 = arith.index_cast %add3A_109 : i32 to index
      %get3A_111 = tpu.vector_load %arg13[%get3A_110] {strides = array<i32>} : memref<8192xf32, #tpu.memory_space<vmem>>, vector<16xf32>,
      %add3A_112 = arith.constant 3584 : i32
      %add3A_113 = arith.addi %add3A_112, %mul3A_33 : i32
      %get3A_114 = arith.index_cast %add3A_113 : i32 to index
      %get3A_115 = tpu.vector_load %arg14[%get3A_114] {strides = array<i32>} : memref<8192xf32, #tpu.memory_space<vmem>>, vector<16xf32>,
      %mul3A_116 = arith.mulf %get3A_111, %get3A_115 : vector<16xf32>
      %add3A_117 = arith.addf %add3A_107, %mul3A_116 : vector<16xf32>
      %add3A_118 = arith.constant 4096 : i32
      %add3A_119 = arith.addi %add3A_118, %mul3A_33 : i32
      %get3A_120 = arith.index_cast %add3A_119 : i32 to index
      %get3A_121 = tpu.vector_load %arg13[%get3A_120] {strides = array<i32>} : memref<8192xf32, #tpu.memory_space<vmem>>, vector<16xf32>,
      %add3A_122 = arith.constant 4096 : i32
      %add3A_123 = arith.addi %add3A_122, %mul3A_33 : i32
      %get3A_124 = arith.index_cast %add3A_123 : i32 to index
      %get3A_125 = tpu.vector_load %arg14[%get3A_124] {strides = array<i32>} : memref<8192xf32, #tpu.memory_space<vmem>>, vector<16xf32>,
      %mul3A_126 = arith.mulf %get3A_121, %get3A_125 : vector<16xf32>
      %add3A_127 = arith.addf %add3A_117, %mul3A_126 : vector<16xf32>
      %add3A_128 = arith.constant 4608 : i32
      %add3A_129 = arith.addi %add3A_128, %mul3A_33 : i32
      %get3A_130 = arith.index_cast %add3A_129 : i32 to index
      %get3A_131 = tpu.vector_load %arg13[%get3A_130] {strides = array<i32>} : memref<8192xf32, #tpu.memory_space<vmem>>, vector<16xf32>,
      %add3A_132 = arith.constant 4608 : i32
      %add3A_133 = arith.addi %add3A_132, %mul3A_33 : i32
      %get3A_134 = arith.index_cast %add3A_133 : i32 to index
      %get3A_135 = tpu.vector_load %arg14[%get3A_134] {strides = array<i32>} : memref<8192xf32, #tpu.memory_space<vmem>>, vector<16xf32>,
      %mul3A_136 = arith.mulf %get3A_131, %get3A_135 : vector<16xf32>
      %add3A_137 = arith.addf %add3A_127, %mul3A_136 : vector<16xf32>
      %add3A_138 = arith.constant 5120 : i32
      %add3A_139 = arith.addi %add3A_138, %mul3A_33 : i32
      %get3A_140 = arith.index_cast %add3A_139 : i32 to index
      %get3A_141 = tpu.vector_load %arg13[%get3A_140] {strides = array<i32>} : memref<8192xf32, #tpu.memory_space<vmem>>, vector<16xf32>,
      %add3A_142 = arith.constant 5120 : i32
      %add3A_143 = arith.addi %add3A_142, %mul3A_33 : i32
      %get3A_144 = arith.index_cast %add3A_143 : i32 to index
      %get3A_145 = tpu.vector_load %arg14[%get3A_144] {strides = array<i32>} : memref<8192xf32, #tpu.memory_space<vmem>>, vector<16xf32>,
      %mul3A_146 = arith.mulf %get3A_141, %get3A_145 : vector<16xf32>
      %add3A_147 = arith.addf %add3A_137, %mul3A_146 : vector<16xf32>
      %add3A_148 = arith.constant 5632 : i32
      %add3A_149 = arith.addi %add3A_148, %mul3A_33 : i32
      %get3A_150 = arith.index_cast %add3A_149 : i32 to index
      %get3A_151 = tpu.vector_load %arg13[%get3A_150] {strides = array<i32>} : memref<8192xf32, #tpu.memory_space<vmem>>, vector<16xf32>,
      %add3A_152 = arith.constant 5632 : i32
      %add3A_153 = arith.addi %add3A_152, %mul3A_33 : i32
      %get3A_154 = arith.index_cast %add3A_153 : i32 to index
      %get3A_155 = tpu.vector_load %arg14[%get3A_154] {strides = array<i32>} : memref<8192xf32, #tpu.memory_space<vmem>>, vector<16xf32>,
      %mul3A_156 = arith.mulf %get3A_151, %get3A_155 : vector<16xf32>
      %add3A_157 = arith.addf %add3A_147, %mul3A_156 : vector<16xf32>
      %add3A_158 = arith.constant 6144 : i32
      %add3A_159 = arith.addi %add3A_158, %mul3A_33 : i32
      %get3A_160 = arith.index_cast %add3A_159 : i32 to index
      %get3A_161 = tpu.vector_load %arg13[%get3A_160] {strides = array<i32>} : memref<8192xf32, #tpu.memory_space<vmem>>, vector<16xf32>,
      %add3A_162 = arith.constant 6144 : i32
      %add3A_163 = arith.addi %add3A_162, %mul3A_33 : i32
      %get3A_164 = arith.index_cast %add3A_163 : i32 to index
      %get3A_165 = tpu.vector_load %arg14[%get3A_164] {strides = array<i32>} : memref<8192xf32, #tpu.memory_space<vmem>>, vector<16xf32>,
      %mul3A_166 = arith.mulf %get3A_161, %get3A_165 : vector<16xf32>
      %add3A_167 = arith.addf %add3A_157, %mul3A_166 : vector<16xf32>
      %add3A_168 = arith.constant 6656 : i32
      %add3A_169 = arith.addi %add3A_168, %mul3A_33 : i32
      %get3A_170 = arith.index_cast %add3A_169 : i32 to index
      %get3A_171 = tpu.vector_load %arg13[%get3A_170] {strides = array<i32>} : memref<8192xf32, #tpu.memory_space<vmem>>, vector<16xf32>,
      %add3A_172 = arith.constant 6656 : i32
      %add3A_173 = arith.addi %add3A_172, %mul3A_33 : i32
      %get3A_174 = arith.index_cast %add3A_173 : i32 to index
      %get3A_175 = tpu.vector_load %arg14[%get3A_174] {strides = array<i32>} : memref<8192xf32, #tpu.memory_space<vmem>>, vector<16xf32>,
      %mul3A_176 = arith.mulf %get3A_171, %get3A_175 : vector<16xf32>
      %add3A_177 = arith.addf %add3A_167, %mul3A_176 : vector<16xf32>
      %add3A_178 = arith.constant 7168 : i32
      %add3A_179 = arith.addi %add3A_178, %mul3A_33 : i32
      %get3A_180 = arith.index_cast %add3A_179 : i32 to index
      %get3A_181 = tpu.vector_load %arg13[%get3A_180] {strides = array<i32>} : memref<8192xf32, #tpu.memory_space<vmem>>, vector<16xf32>,
      %add3A_182 = arith.constant 7168 : i32
      %add3A_183 = arith.addi %add3A_182, %mul3A_33 : i32
      %get3A_184 = arith.index_cast %add3A_183 : i32 to index
      %get3A_185 = tpu.vector_load %arg14[%get3A_184] {strides = array<i32>} : memref<8192xf32, #tpu.memory_space<vmem>>, vector<16xf32>,
      %mul3A_186 = arith.mulf %get3A_181, %get3A_185 : vector<16xf32>
      %add3A_187 = arith.addf %add3A_177, %mul3A_186 : vector<16xf32>
      %add3A_188 = arith.constant 7680 : i32
      %add3A_189 = arith.addi %add3A_188, %mul3A_33 : i32
      %get3A_190 = arith.index_cast %add3A_189 : i32 to index
      %get3A_191 = tpu.vector_load %arg13[%get3A_190] {strides = array<i32>} : memref<8192xf32, #tpu.memory_space<vmem>>, vector<16xf32>,
      %add3A_192 = arith.constant 7680 : i32
      %add3A_193 = arith.addi %add3A_192, %mul3A_33 : i32
      %get3A_194 = arith.index_cast %add3A_193 : i32 to index
      %get3A_195 = tpu.vector_load %arg14[%get3A_194] {strides = array<i32>} : memref<8192xf32, #tpu.memory_space<vmem>>, vector<16xf32>,
      %mul3A_196 = arith.mulf %get3A_191, %get3A_195 : vector<16xf32>
      %add3A_197 = arith.addf %add3A_187, %mul3A_196 : vector<16xf32>
      %swap3A = arith.index_cast %mul3A_33 : i32 to index
      %swap3A_198 = tpu.vector_load %arg17[%swap3A] {strides = array<i32>} : memref<512xf32, #tpu.memory_space<vmem>>, vector<16xf32>,
      tpu.vector_store %arg17[%swap3A], %add3A_197 {strides = array<i32>} : memref<512xf32, #tpu.memory_space<vmem>>, vector<16xf32>,
      %scan3A_199 = arith.constant 0 : i32
      scf.yield %scan3A_199 : i32
    }
    %scan3A_29 = arith.constant 32 : i32
    "tpu.region"() ({
      %run_scoped3A = tpu.sem_alloc : memref<!tpu.dma_semaphore, #tpu.memory_space<semaphore_mem>>
      %dma_start3A_30 = tpu.memref_slice %arg8[%mul3A_2] : memref<16384xf32, #tpu.memory_space<hbm>> -> memref<512xf32, #tpu.memory_space<hbm>>
      %dma_start3A_31 = tpu.memref_slice %arg8[%mul3A_2] : memref<16384xf32, #tpu.memory_space<hbm>> -> memref<512xf32, #tpu.memory_space<hbm>>
      tpu.enqueue_dma source(%arg17 : memref<512xf32, #tpu.memory_space<vmem>>) target(%dma_start3A_31 : memref<512xf32, #tpu.memory_space<hbm>>) target_semaphore(%run_scoped3A : memref<!tpu.dma_semaphore, #tpu.memory_space<semaphore_mem>>)
      %dma_wait3A_32 = tpu.memref_slice %arg8[%mul3A_2] : memref<16384xf32, #tpu.memory_space<hbm>> -> memref<512xf32, #tpu.memory_space<hbm>>
      %dma_wait3A_33 = tpu.memref_slice %arg8[%mul3A_2] : memref<16384xf32, #tpu.memory_space<hbm>> -> memref<512xf32, #tpu.memory_space<hbm>>
      tpu.wait_dma2 semaphore(%run_scoped3A : memref<!tpu.dma_semaphore, #tpu.memory_space<semaphore_mem>>) src(%arg17 : memref<512xf32, #tpu.memory_space<vmem>>) dst(%dma_wait3A_33 : memref<512xf32, #tpu.memory_space<hbm>>)
      tpu.yield
    }) : () -> ()
    return
  }
}

module attributes {stable_mosaic.version = 14 : i64} {
  func.func @_detile_body(%arg0: i32, %arg1: memref<16x65536xf32, #tpu.memory_space<vmem>>, %arg2: memref<1048576xf32, #tpu.memory_space<vmem>>) attributes {dimension_semantics = [#tpu.dimension_semantics<arbitrary>], iteration_bounds = array<i64: 2>, scalar_prefetch = 0 : i64, scratch_operands = 0 : i64, tpu.core_type = #tpu.core_type<tc>, window_params = [{transform_indices = @transform_0, window_bounds = array<i64: 16, 65536>}, {transform_indices = @transform_1, window_bounds = array<i64: 1048576>}]} {
    %get3A = arith.constant 0 : index
    %get3A_0 = arith.constant 0 : index
    %get3A_1 = vector.load %arg1[%get3A, %get3A_0] : memref<16x65536xf32, #tpu.memory_space<vmem>>, vector<16x65536xf32>
    %reshape3A = vector.shape_cast %get3A_1 : vector<16x65536xf32> to vector<2x8x512x128xf32>
    %transpose3A = tpu.transpose %reshape3A, [0, 2, 1, 3] : vector<2x8x512x128xf32> -> vector<2x512x8x128xf32>
    %reshape3A_2 = vector.shape_cast %transpose3A : vector<2x512x8x128xf32> to vector<1048576xf32>
    %swap3A = arith.constant 0 : index
    %swap3A_3 = vector.load %arg2[%swap3A] : memref<1048576xf32, #tpu.memory_space<vmem>>, vector<1048576xf32>
    tpu.vector_store %arg2[%swap3A], %reshape3A_2 {strides = array<i32>} : memref<1048576xf32, #tpu.memory_space<vmem>>, vector<1048576xf32>,
    return
  }
  func.func @transform_0(%arg0: i32) -> (i32, i32) {
    %c0_i32 = arith.constant 0 : i32
    %c0_i32_0 = arith.constant 0 : i32
    return %c0_i32, %arg0 : i32, i32
  }
  func.func @transform_1(%arg0: i32) -> i32 {
    %c0_i32 = arith.constant 0 : i32
    return %arg0 : i32
  }
}

module attributes {stable_mosaic.version = 14 : i64} {
  func.func @_detile_body(%arg0: i32, %arg1: memref<16x65536xf32, #tpu.memory_space<vmem>>, %arg2: memref<1048576xf32, #tpu.memory_space<vmem>>) attributes {dimension_semantics = [#tpu.dimension_semantics<arbitrary>], iteration_bounds = array<i64: 16>, scalar_prefetch = 0 : i64, scratch_operands = 0 : i64, tpu.core_type = #tpu.core_type<tc>, window_params = [{transform_indices = @transform_0, window_bounds = array<i64: 16, 65536>}, {transform_indices = @transform_1, window_bounds = array<i64: 1048576>}]} {
    %get3A = arith.constant 0 : index
    %get3A_0 = arith.constant 0 : index
    %get3A_1 = vector.load %arg1[%get3A, %get3A_0] : memref<16x65536xf32, #tpu.memory_space<vmem>>, vector<16x65536xf32>
    %reshape3A = vector.shape_cast %get3A_1 : vector<16x65536xf32> to vector<2x8x512x128xf32>
    %transpose3A = tpu.transpose %reshape3A, [0, 2, 1, 3] : vector<2x8x512x128xf32> -> vector<2x512x8x128xf32>
    %reshape3A_2 = vector.shape_cast %transpose3A : vector<2x512x8x128xf32> to vector<1048576xf32>
    %swap3A = arith.constant 0 : index
    %swap3A_3 = vector.load %arg2[%swap3A] : memref<1048576xf32, #tpu.memory_space<vmem>>, vector<1048576xf32>
    tpu.vector_store %arg2[%swap3A], %reshape3A_2 {strides = array<i32>} : memref<1048576xf32, #tpu.memory_space<vmem>>, vector<1048576xf32>,
    return
  }
  func.func @transform_0(%arg0: i32) -> (i32, i32) {
    %c0_i32 = arith.constant 0 : i32
    %c0_i32_0 = arith.constant 0 : i32
    return %c0_i32, %arg0 : i32, i32
  }
  func.func @transform_1(%arg0: i32) -> i32 {
    %c0_i32 = arith.constant 0 : i32
    return %arg0 : i32
  }
}

module attributes {stable_mosaic.version = 14 : i64} {
  func.func @_flatten_bias_body(%arg0: i32, %arg1: memref<1x65536xf32, #tpu.memory_space<vmem>>, %arg2: memref<65536xf32, #tpu.memory_space<vmem>>) attributes {dimension_semantics = [#tpu.dimension_semantics<arbitrary>], iteration_bounds = array<i64: 2>, scalar_prefetch = 0 : i64, scratch_operands = 0 : i64, tpu.core_type = #tpu.core_type<tc>, window_params = [{transform_indices = @transform_0, window_bounds = array<i64: 1, 65536>}, {transform_indices = @transform_1, window_bounds = array<i64: 65536>}]} {
    %get3A = arith.constant 0 : index
    %get3A_0 = arith.constant 0 : index
    %get3A_1 = vector.load %arg1[%get3A, %get3A_0] : memref<1x65536xf32, #tpu.memory_space<vmem>>, vector<1x65536xf32>
    %reshape3A = vector.shape_cast %get3A_1 : vector<1x65536xf32> to vector<65536xf32>
    %swap3A = arith.constant 0 : index
    %swap3A_2 = vector.load %arg2[%swap3A] : memref<65536xf32, #tpu.memory_space<vmem>>, vector<65536xf32>
    tpu.vector_store %arg2[%swap3A], %reshape3A {strides = array<i32>} : memref<65536xf32, #tpu.memory_space<vmem>>, vector<65536xf32>,
    return
  }
  func.func @transform_0(%arg0: i32) -> (i32, i32) {
    %c0_i32 = arith.constant 0 : i32
    %c0_i32_0 = arith.constant 0 : i32
    return %c0_i32, %arg0 : i32, i32
  }
  func.func @transform_1(%arg0: i32) -> i32 {
    %c0_i32 = arith.constant 0 : i32
    return %arg0 : i32
  }
}

module attributes {stable_mosaic.version = 14 : i64} {
  func.func @_flatten_bias_body(%arg0: i32, %arg1: memref<1x65536xf32, #tpu.memory_space<vmem>>, %arg2: memref<65536xf32, #tpu.memory_space<vmem>>) attributes {dimension_semantics = [#tpu.dimension_semantics<arbitrary>], iteration_bounds = array<i64: 16>, scalar_prefetch = 0 : i64, scratch_operands = 0 : i64, tpu.core_type = #tpu.core_type<tc>, window_params = [{transform_indices = @transform_0, window_bounds = array<i64: 1, 65536>}, {transform_indices = @transform_1, window_bounds = array<i64: 65536>}]} {
    %get3A = arith.constant 0 : index
    %get3A_0 = arith.constant 0 : index
    %get3A_1 = vector.load %arg1[%get3A, %get3A_0] : memref<1x65536xf32, #tpu.memory_space<vmem>>, vector<1x65536xf32>
    %reshape3A = vector.shape_cast %get3A_1 : vector<1x65536xf32> to vector<65536xf32>
    %swap3A = arith.constant 0 : index
    %swap3A_2 = vector.load %arg2[%swap3A] : memref<65536xf32, #tpu.memory_space<vmem>>, vector<65536xf32>
    tpu.vector_store %arg2[%swap3A], %reshape3A {strides = array<i32>} : memref<65536xf32, #tpu.memory_space<vmem>>, vector<65536xf32>,
    return
  }
  func.func @transform_0(%arg0: i32) -> (i32, i32) {
    %c0_i32 = arith.constant 0 : i32
    %c0_i32_0 = arith.constant 0 : i32
    return %c0_i32, %arg0 : i32, i32
  }
  func.func @transform_1(%arg0: i32) -> i32 {
    %c0_i32 = arith.constant 0 : i32
    return %arg0 : i32
  }
}

</mosaic_0001>

<sc_bundles>
// kernel: kernel.7.cloned.1.call-start
scs
__scs_entry_jumppad:
0x0: {  	(pc) =	sbr.rel $0x88, $3  }
0x1: {  	(tag) =	ssettag $0x0;
	lr =	simm.s32 $0x1  }
0x2: {  	[smem:$0x3F9B] =	sst lr;
	_ =	strace $0xD0000000  }
0x3: {  	_ = 	snop  }
0x4: {  	_ = 	snop  }
0x5: {  	_ = 	snop  }
0x6: {  	_ = 	snop  }
0x7: {  	_ = 	snop  }
__scs_overlays_trampoline_lowered:
0x8: {  	[smem:$0x3FAA] =	sst s0  }
0x9: {  	[smem:$0x3FAB] =	sst s1  }
0xa: {  	[smem:$0x3FAC] =	sst s2  }
0xb: {  	[smem:$0x3FAD] =	sst s3  }
0xc: {  	[smem:$0x3FAE] =	sst s4  }
0xd: {  	[smem:$0x3FAF] =	sst s5  }
0xe: {  	[smem:$0x3FB0] =	sst s6  }
0xf: {  	[smem:$0x3FB1] =	sst s7  }
0x10: {  	[smem:$0x3FB2] =	sst s8  }
0x11: {  	[smem:$0x3FB3] =	sst s9;
	s0 =	simm.s32 @!p0 $0x0  }
0x12: {  	s1 =	sld [smem:$0x3F99];
	s0 =	simm.s32 @p0 $0x1  }
0x13: {  	[smem:$0x3FB4] =	sst s0;
	s0 =	simm.s32 @!p1 $0x0  }
0x14: {  	s2 =	sld [smem:$0x3F98];
	s0 =	simm.s32 @p1 $0x1  }
0x15: {  	[smem:$0x3FB5] =	sst s0;
	s0 =	simm.s32 @!p2 $0x0  }
0x16: {  	s3 =	sld [smem:$0x3FDB];
	s0 =	simm.s32 @p2 $0x1  }
0x17: {  	s4 =	simm.s32 $0x1BF5;
	[smem:$0x3FB7] =	sst s0  }
0x18: {  	s0 =	sld [smem:$0x3F9A];
	_ =	swait.ge [sflag:s4], $0x0  }
0x19: {  	s7 =	sld [smem:$0x3F9B]  }
0x1a: {  	s8 =	sadd.s32 $0xFFFFE003, lr  }
0x1b: {  	s9 =	sadd.s32 $0xFFFFFEF7, lr;
	s5 =	simm.s32 $0xFFFFFFFF;
	p2 =	slt.u32 s8, $0xFFFFF086  }
0x1c: {  	p1 =	slt.u32 s9, $0xF7A;
	s5 =	simm.s32 @!p2 $0x0  }
0x1d: {  	s5 =	simm.s32 @p1 $0x1;
	p0 =	seq.s32 s7, s2  }
0x1e: {  	s7 =	smul.u32 @!p0 $0xF7A, s2;
	p2 =	seq.s32 @!p0 s5, $0x0  }
0x1f: {  	s9 =	smul.u32 $0xF7A, s1;
	s8 =	simm.s32 @!p0 $0x1BF5;
	p2 =	por !p2, p0  }
0x20: {  	[sflag:s8] =	ssyncset.s32 @!p0 $0xFFFFF086;
	s6 =	sadd.s32 @!p0 s3, s7;
	s7 =	simm.s32 @!p0 $0x108  }
0x21: {  	s3 =	sadd.s32 s3, s9;
	s6 =	sadd.s32 @!p0 $0x88, s6;
	s7 =	simm.s32 @p2 $0x1082  }
0x22: {  	[simem:s7], [sflag:s8] =	dma.local @!p0 [hbm:s6], $0xF7A  }
0x23: {  	s9 =	sor.u32 $0xD0000000, s2;
	s6 =	simm.s32 $0x108;
	_ =	swait.ge @!p0 [sflag:s8], $0x0  }
0x24: {  	s3 =	sadd.s32 $0x88, s3;
	s6 =	simm.s32 @!p1 $0x1082;
	[sflag:s4] =	ssyncset.s32 $0xFFFFF086  }
0x25: {  	[simem:s6], [sflag:s4] =	dma.local [hbm:s3], $0xF7A  }
0x26: {  	[smem:$0x3F9B] =	sst s1;
	(tag) =	ssettag s2;
	_ =	strace s9  }
0x27: {  	s1 =	sld [smem:$0x3FAB]  }
0x28: {  	s2 =	sld [smem:$0x3FAC]  }
0x29: {  	s4 =	sld [smem:$0x3FAE]  }
0x2a: {  	p0 =	seq.s32 s5, $0x0;
	s5 =	sld [smem:$0x3FAF]  }
0x2b: {  	s6 =	sld [smem:$0x3FB0]  }
0x2c: {  	s7 =	sld [smem:$0x3FB1]  }
0x2d: {  	s3 =	simm.s32 $0x108;
	s8 =	sld [smem:$0x3FB2]  }
0x2e: {  	s3 =	simm.s32 @!p0 $0x1082;
	s9 =	sld [smem:$0x3FB3]  }
0x2f: {  	lr =	sadd.s32 s0, s3;
	s0 =	sld [smem:$0x3FAA]  }
0x30: {  	s3 =	sld [smem:$0x3FAD]  }
0x31: {  	[smem:$0x3FB6] =	sst s10  }
0x32: {  	s10 =	sld [smem:$0x3FB4];
	_ =	sdelay $0x3  }
0x33: {  	p0 =	seq.s32 s10, $0x1;
	s10 =	sld [smem:$0x3FB6];
	_ =	sdelay $0x3  }
0x34: {  	[smem:$0x3FB6] =	sst s10  }
0x35: {  	s10 =	sld [smem:$0x3FB5];
	_ =	sdelay $0x3  }
0x36: {  	p1 =	seq.s32 s10, $0x1;
	s10 =	sld [smem:$0x3FB6];
	_ =	sdelay $0x3  }
0x37: {  	[smem:$0x3FB6] =	sst s10  }
0x38: {  	s10 =	sld [smem:$0x3FB7]  }
0x39: {  	_ = 	snop;
	(pc) =	sbr.ind lr, $3  }
0x3a: {  	_ = 	snop  }
0x3b: {  	_ = 	snop  }
0x3c: {  	p2 =	seq.s32 s10, $0x1;
	s10 =	sld [smem:$0x3FB6]  }
0x3d: {  	_ =	shalt  }
0x3e: {  	_ =	shalt  }
0x3f: {  	_ =	shalt  }
0x40: {  	_ =	shalt  }
0x41: {  	_ =	shalt  }
0x42: {  	_ =	shalt  }
0x43: {  	_ =	shalt  }
0x44: {  	_ =	shalt  }
0x45: {  	_ =	shalt  }
0x46: {  	_ =	shalt  }
0x47: {  	_ =	shalt  }
0x48: {  	_ =	shalt  }
0x49: {  	_ =	shalt  }
0x4a: {  	_ =	shalt  }
0x4b: {  	_ =	shalt  }
0x4c: {  	_ =	shalt  }
0x4d: {  	_ =	shalt  }
0x4e: {  	_ =	shalt  }
0x4f: {  	_ =	shalt  }
0x50: {  	_ =	shalt  }
0x51: {  	_ =	shalt  }
0x52: {  	_ =	shalt  }
0x53: {  	_ =	shalt  }
0x54: {  	_ =	shalt  }
0x55: {  	_ =	shalt  }
0x56: {  	_ =	shalt  }
0x57: {  	_ =	shalt  }
0x58: {  	_ =	shalt  }
0x59: {  	_ =	shalt  }
0x5a: {  	_ =	shalt  }
0x5b: {  	_ =	shalt  }
0x5c: {  	_ =	shalt  }
0x5d: {  	_ =	shalt  }
0x5e: {  	_ =	shalt  }
0x5f: {  	_ =	shalt  }
0x60: {  	_ =	shalt  }
0x61: {  	_ =	shalt  }
0x62: {  	_ =	shalt  }
0x63: {  	_ =	shalt  }
0x64: {  	_ =	shalt  }
0x65: {  	_ =	shalt  }
0x66: {  	_ =	shalt  }
0x67: {  	_ =	shalt  }
0x68: {  	_ =	shalt  }
0x69: {  	_ =	shalt  }
0x6a: {  	_ =	shalt  }
0x6b: {  	_ =	shalt  }
0x6c: {  	_ =	shalt  }
0x6d: {  	_ =	shalt  }
0x6e: {  	_ =	shalt  }
0x6f: {  	_ =	shalt  }
0x70: {  	_ =	shalt  }
0x71: {  	_ =	shalt  }
0x72: {  	_ =	shalt  }
0x73: {  	_ =	shalt  }
0x74: {  	_ =	shalt  }
0x75: {  	_ =	shalt  }
0x76: {  	_ =	shalt  }
0x77: {  	_ =	shalt  }
0x78: {  	_ =	shalt  }
0x79: {  	_ =	shalt  }
0x7a: {  	_ =	shalt  }
0x7b: {  	_ =	shalt  }
0x7c: {  	_ =	shalt  }
0x7d: {  	_ =	shalt  }
0x7e: {  	_ =	shalt  }
0x7f: {  	_ =	shalt  }
0x80: {  	_ =	shalt  }
0x81: {  	_ =	shalt  }
0x82: {  	_ =	shalt  }
0x83: {  	_ =	shalt  }
0x84: {  	_ =	shalt  }
0x85: {  	_ =	shalt  }
0x86: {  	_ =	shalt  }
0x87: {  	_ =	shalt  }
.Lfunc_end0:
.L_simem_size_0:
called_computation_lowered:
.L_overlay_start_0:
0x88: {  	s2 =	sld [smem:$0x3FD9]  }
0x89: {  	s3 =	sld [smem:$0x3FFE];
	_ =	sdelay $0x1  }
0x8a: {  	s1 =	srdreg.scid  }
0x8b: {  	s0 =	sand.u32 $0x1, s1  }
0x8c: {  	s17 =	sshll.u32 s0, $0xA;
	s2 =	sadd.s32 s3, s2  }
0x8d: {  	s2 =	sadd.s32 s2, s17  }
0x8e: {  	[smem:$0x3FC2] =	sst s2  }
0x8f: {  	_ = 	snop  }
0x90: {  	s2 =	sld [smem:$0x3FC9]  }
0x91: {  	s18 =	sld [smem:$0x3FC8]  }
0x92: {  	s4 =	sld [smem:$0x3FD0];
	(tm) =	ssettm $0x1  }
0x93: {  	s5 =	sld [smem:$0x3FFB];
	_ =	sdelay $0x3  }
0x94: {  	_ =	strace s5  }
0x95: {  	s5 =	sld [smem:$0x3FFC];
	_ =	sdelay $0x3  }
0x96: {  	_ =	strace s5  }
0x97: {  	s5 =	sld [smem:$0x3FFD];
	_ =	sdelay $0x3  }
0x98: {  	_ =	strace s5  }
0x99: {  	_ =	strace $0x8FFFFFFF  }
0x9a: {  	s19 =	sld [smem:$0x3FDB];
	_ =	sdelay $0x1  }
0x9b: {  	s6 =	simm.s32 $_scs_section_size  }
0x9c: {  	s7 =	simm.s32 $_size__tile_overlayer_lowered;
	s8 =	simm.s32 $_tile_overlayer_lowered  }
0x9d: {  	s22 =	simm.s32 $0x1BFF;
	s21 =	sshll.u32 s8, $0x1;
	s5 =	sadd.s32 s6, s19  }
0x9e: {  	s9 =	simm.s32 $0x0;
	s20 =	sshll.u32 s7, $0x1;
	s7 =	sadd.s32 s21, s5  }
0x9f: {  	[timem:s9], [sflag:s22] =	dma.local [hbm:s7], s20  }
0xa0: {  	_ =	swait.ge [sflag:s22], s20  }
0xa1: {  	s6 =	ssub.s32 $0x0, s20;
	[sflag:s22] =	ssyncset.done $0x0  }
0xa2: {  	[sflag:s22] =	ssyncadd.s32 s6;
	_ =	sdelay $0x1  }
0xa3: {  	s23 =	simm.s32 $0x1B8B  }
0xa4: {  	_ =	swait.ge [sflag:s23], $0x1  }
0xa5: {  	[sflag:s23] =	ssyncset.done $0x0  }
0xa6: {  	s25 =	simm.s32 $0x1B8E;
	s24 =	sld [smem:$0x3FFE];
	[sflag:s23] =	ssyncadd.s32 $0xFFFFFFFF  }
0xa7: {  	s26 =	simm.s32 $execute0_lowered;
	[smem:$0x3FD2] =	sst s25  }
0xa8: {  	s7 =	sshll.u32 s26, $0x1;
	_ =	strace $0x80000046;
	[dreg:$0x1] =	wrdreg $0xFFFFFFFF  }
0xa9: {  	s28 =	simm.s32 $_size_execute0_lowered;
	s5 =	sadd.s32 s5, s7;
	[dreg:$0x0] =	wrdreg $0x0  }
0xaa: {  	s7 =	sshll.u32 s28, $0x1;
	[dreg:$0x2] =	wrdreg s5  }
0xab: {  	[dreg:$0x3] =	wrdreg s7  }
0xac: {  	[dreg:$0x4] =	wrdreg $0xC0  }
0xad: {  	_ =	task [dreg:s9], $0x5FFFF  }
0xae: {  	[dreg:$0x1] =	wrdreg $0xFFFFFFFF  }
0xaf: {  	[dreg:$0x0] =	wrdreg $0x60  }
0xb0: {  	[dreg:$0x2] =	wrdreg s2  }
0xb1: {  	[dreg:$0x3] =	wrdreg s18  }
0xb2: {  	[dreg:$0x4] =	wrdreg s24  }
0xb3: {  	[dreg:$0x5] =	wrdreg s4  }
0xb4: {  	[dreg:$0x6] =	wrdreg $0x9  }
0xb5: {  	_ =	task.clear_ibuf [dreg:s9], $0x7FFFF;
	_ =	strace $0x90000046  }
0xb6: {  	s29 =	simm.s32 $0x9;
	_ =	strace $0x80000048  }
0xb7: {  	_ =	swait.ge [sflag:s29], $0x1  }
0xb8: {  	[sflag:s29] =	ssyncadd.s32 $0xFFFFFFFF  }
0xb9: {  	_ =	strace $0x90000048  }
0xba: {  	_ =	sfence  }
0xbb: {  	s30 =	sld [smem:$0x0];
	_ =	sdelay $0x2  }
0xbc: {  	s31 =	sshll.u32 s1, $0xD;
	s1 =	sshrl.u32 s1, $0x2  }
0xbd: {  	s3 =	sand.u32 $0x4000, s31;
	s1 =	sadd.s32 s1, s30  }
0xbe: {  	s0 =	sor.u32 s3, s0;
	s1 =	sshll.u32 s1, $0x11  }
0xbf: {  	s0 =	sor.u32 s1, s0  }
0xc0: {  	s0 =	sadd.s32 $0x8F2B, s0  }
0xc1: {  	[sflag:s0] =	ssyncadd.remote.s32 $0x1  }
0xc2: {  	_ =	sfence.sel $0xFFFF  }
0xc3: {  	[dreg:$0x0] =	wrdreg $0xFFFFFFFF;
	(pc) =	sbr.abs _section_cstart, $3  }
0xc4: {  	[dreg:$0x1] =	wrdreg $0xFFFFFFFF  }
0xc5: {  	_ =	task.clear_ibuf [dreg:s9], $0x2FFFF;
	_ =	strace $0x9FFFFFFF  }
0xc6: {  	(tm) =	ssettm $0x7FFFFFFF  }
0xc7: {  	_ =	shalt  }
tec
execute0_lowered:
.L_overlay_start_1:
0x0: {  	(tag) =	ssettag $0x1  }
0x1: {  	s7 =	rddreg [dreg:$0x0]  }
0x2: {  	s8 =	rddreg [dreg:$0x1]  }
0x3: {  	s6 =	rddreg [dreg:$0x2]  }
0x4: {  	s9 =	rddreg [dreg:$0x3]  }
0x5: {  	s0 =	rddreg [dreg:$0x4];
	s1 =	simm.s32 $0x0;
	s5 =	srdreg.scid  }
0x6: {  	s2 =	stileid.u32;
	s14 =	simm.s32 $0x8600;
	s15 =	simm.s32 $0x2000  }
0x7: {  	s16 =	simm.s32 $0x400;
	s17 =	simm.s32 $0x4400;
	s18 =	simm.s32 $0x2400  }
0x8: {  	s19 =	simm.s32 $0x6400;
	s20 =	simm.s32 $0x1;
	s21 =	simm.s32 $0x8800  }
0x9: {  	s22 =	simm.s32 $0x0;
	[smem:$0x7FF] =	sst s1;
	s3 =	sadd.s32 $0x65000, s6  }
0xa: {  	s4 =	sadd.s32 $0x25000, s6;
	s5 =	sand.u32 $0x1, s5;
	s11 =	sshll.u32 s2, $0x7  }
0xb: {  	_ =	strace $0x80000047;
	s10 =	ssub.s32 $0x2, s5;
	s12 =	sshll.u32 s5, $0x6  }
0xc: {  	s5 =	sadd.s32 $0x5000, s6;
	s6 =	sadd.s32 $0x1000, s6;
	s13 =	sshrl.u32 s10, $0x1  }
0xd: {  	s11 =	sor.u32 s12, s11;
	s12 =	simm.s32 $0x200;
	s10 =	ssub.s32 s10, s13  }
0xe: {  	s7 =	sadd.s32 s7, s11;
	s8 =	sadd.s32 s8, s11;
	s9 =	sadd.s32 s9, s11  }
0xf: {  	v0 =	vimm.s32 $0x0;
	s11 =	simm.s32 $0x2;
	s13 =	simm.s32 $0x8400;
	s10 =	smax.u32 s10, $0x1  }
.LBB2_1:
0x10: {  	[tilespmem:s1], [sflag:$0x2] =	stream.linear.gather [hbm4b:s7+s1], $0x200, $0x38;
	[tilespmem:$0x8A00] =	vst v63  }
0x11: {  	_ =	swait.ge [sflag:s11], $0x200  }
0x12: {  	[sflag:s11] =	ssyncset.done $0x0  }
0x13: {  	[sflag:s11] =	ssyncadd.s32 $0xFFFFFE00  }
0x14: {  	[tilespmem:s12], [sflag:$0x2] =	stream.linear.gather [hbm4b:s8+s1], $0x200, $0x38;
	[tilespmem:$0x8A00] =	vst v63  }
0x15: {  	_ =	swait.ge [sflag:s11], $0x200  }
0x16: {  	[sflag:s11] =	ssyncset.done $0x0  }
0x17: {  	[sflag:s11] =	ssyncadd.s32 $0xFFFFFE00  }
0x18: {  	[tilespmem:s13], [sflag:$0x1] =	stream.indirect.gather [hbm4b:s5+s12], $0x1, s1, s12, $0xb8;
	[tilespmem:$0x8A00] =	vst v63  }
0x19: {  	s23 =	simm.s32 $0x0  }
0x1a: {  	[tilespmem:s14], [sflag:$0x1] =	stream.indirect.gather [hbm4b:s6+s12], $0x1, s12, s12, $0xb8;
	[tilespmem:$0x8A00] =	vst v63  }
0x1b: {  	v1 =	vld [tilespmem:s23+$0x0]  }
0x1c: {  	v2 =	vld [tilespmem:s23+$0x200];
	_ =	sdelay $0x4  }
0x1d: {  	v3 =	vshra.s32 v1, $0x1F;
	v5 =	vshra.s32 v2, $0x1F;
	vm0 =	vlt.s32 v2, $0x1  }
0x1e: {  	v6 =	vand.u32 $0xFFFF, v2;
	vm2 =	vlt.s32 v1, $0x1;
	v4 =	vshrl.u32 v3, $0x19  }
0x1f: {  	v7 =	vshrl.u32 v5, $0x19;
	v5 =	vshrl.u32 v5, $0x10;
	v4 =	vadd.s32 v4, v1  }
0x20: {  	vm1 =	vne.s32 v6, $0x0;
	v6 =	vand.u32 $0xFFFF, v1;
	v4 =	vshra.s32 v4, $0x7  }
0x21: {  	v3 =	vshrl.u32 v3, $0x10;
	v7 =	vadd.s32 v7, v2;
	v8 =	vshll.u32 v4, $0x7  }
0x22: {  	vm4 =	vne.s32 v6, $0x0;
	v3 =	vadd.s32 v3, v1;
	vm3 =	vne.s32 v1, v8  }
0x23: {  	v5 =	vadd.s32 v5, v2;
	v3 =	vshrl.u32 v3, $0x10;
	vm3 =	vmand vm2, vm3  }
0x24: {  	v1 =	vand.u32 $0x7F, v1;
	vm2 =	vmand vm2, vm4;
	v6 =	vsel vm3, $0xFFFFFFFF, v0  }
0x25: {  	v8 =	vsel vm2, $0xFFFFFFFF, v0;
	v4 =	vadd.s32 v6, v4;
	v6 =	vand.u32 $0xFFFFFF80, v7  }
0x26: {  	v3 =	vadd.s32 v8, v3;
	v4 =	vshll.u32 v4, $0xA;
	vm15 =	vne.s32 v2, v6  }
0x27: {  	v3 =	vshll.u32 v3, $0x14;
	v2 =	vand.u32 $0x7F, v2;
	v4 =	vand.u32 $0x7FC00, v4  }
0x28: {  	vm2 =	vmand vm0, vm15;
	vm0 =	vmand vm0, vm1;
	v3 =	vor.u32 v3, v4  }
0x29: {  	v4 =	vsel vm2, $0xFFFFFFFF, v0;
	v3 =	vor.u32 v1, v3;
	v1 =	vshrl.u32 v7, $0x7  }
0x2a: {  	v1 =	vadd.s32 v4, v1;
	v4 =	vshrl.u32 v5, $0x10;
	v5 =	vsel vm0, $0xFFFFFFFF, v0  }
0x2b: {  	[tilespmem:s23+$0x400] =	vst v3;
	v6 =	vor.u32 $0x80380, v3;
	v7 =	vor.u32 $0x80000, v3;
	v21 =	vor.u32 $0x80080, v3  }
0x2c: {  	v22 =	vor.u32 $0x80100, v3;
	v18 =	vor.u32 $0x80180, v3;
	v17 =	vor.u32 $0x80200, v3;
	[tilespmem:s23+$0x2200] =	vst v6  }
0x2d: {  	v20 =	vor.u32 $0x80280, v3;
	v19 =	vor.u32 $0x80300, v3;
	v1 =	vshll.u32 v1, $0xA;
	[tilespmem:s23+$0x1400] =	vst v7  }
0x2e: {  	v4 =	vadd.s32 v5, v4;
	v5 =	vor.u32 $0x80, v3;
	v6 =	vor.u32 $0x100, v3;
	[tilespmem:s23+$0x1600] =	vst v21  }
0x2f: {  	v1 =	vand.u32 $0x7FC00, v1;
	v4 =	vshll.u32 v4, $0x14;
	[tilespmem:s23+$0x600] =	vst v5;
	v5 =	vor.u32 $0x200, v3  }
0x30: {  	[tilespmem:s23+$0x800] =	vst v6;
	v6 =	vor.u32 $0x300, v3;
	v1 =	vor.u32 v4, v1;
	v4 =	vor.u32 $0x180, v3  }
0x31: {  	v1 =	vor.u32 v2, v1;
	v2 =	vor.u32 $0x280, v3;
	[tilespmem:s23+$0xA00] =	vst v4;
	v4 =	vor.u32 $0x380, v3  }
0x32: {  	[tilespmem:s23+$0x1800] =	vst v22;
	v15 =	vor.u32 $0x80, v1;
	v16 =	vor.u32 $0x100, v1;
	v14 =	vor.u32 $0x180, v1  }
0x33: {  	[tilespmem:s23+$0xC00] =	vst v5;
	v13 =	vor.u32 $0x200, v1;
	v12 =	vor.u32 $0x280, v1;
	v11 =	vor.u32 $0x300, v1  }
0x34: {  	[tilespmem:s23+$0x1000] =	vst v6;
	v10 =	vor.u32 $0x380, v1;
	v9 =	vor.u32 $0x80000, v1;
	v8 =	vor.u32 $0x80080, v1  }
0x35: {  	[tilespmem:s23+$0xE00] =	vst v2;
	v7 =	vor.u32 $0x80100, v1;
	v6 =	vor.u32 $0x80180, v1;
	v5 =	vor.u32 $0x80200, v1  }
0x36: {  	s24 =	simm.s32 $0x10;
	s25 =	simm.s32 $0x80;
	[tilespmem:s23+$0x1200] =	vst v4;
	v3 =	vor.u32 $0x80280, v1;
	v4 =	vor.u32 $0x80300, v1;
	v2 =	vor.u32 $0x80380, v1  }
.LBB2_2:
0x37: {  	p0 =	sne.s32 s25, $0x7C0;
	v21 =	vld [tilespmem:s24+$0x0];
	[tilespmem:s23+$0x1A00] =	vst v18  }
0x38: {  	v18 =	vld [tilespmem:s24+$0x200];
	[tilespmem:s23+$0x1C00] =	vst v17  }
0x39: {  	[tilespmem:s23+$0x1E00] =	vst v20  }
0x3a: {  	[tilespmem:s23+$0x2000] =	vst v19  }
0x3b: {  	[tilespmem:s23+$0x2600] =	vst v15  }
0x3c: {  	v15 =	vshra.s32 v21, $0x1F;
	[tilespmem:s23+$0x2800] =	vst v16  }
0x3d: {  	v16 =	vshrl.u32 v15, $0x19;
	v17 =	vshra.s32 v18, $0x1F;
	vm0 =	vlt.s32 v18, $0x1;
	[tilespmem:s23+$0x2A00] =	vst v14  }
0x3e: {  	v14 =	vadd.s32 v16, v21;
	v16 =	vand.u32 $0xFFFF, v18;
	v19 =	vshrl.u32 v17, $0x19;
	[tilespmem:s23+$0x2C00] =	vst v13  }
0x3f: {  	v13 =	vshra.s32 v14, $0x7;
	v14 =	vshrl.u32 v17, $0x10;
	v17 =	vadd.s32 v19, v18;
	[tilespmem:s23+$0x2E00] =	vst v12  }
0x40: {  	vm1 =	vne.s32 v16, $0x0;
	v12 =	vshll.u32 v13, $0x7;
	v16 =	vand.u32 $0xFFFFFF80, v17;
	[tilespmem:s23+$0x3000] =	vst v11  }
0x41: {  	vm2 =	vlt.s32 v21, $0x1;
	v11 =	vand.u32 $0xFFFF, v21;
	vm3 =	vne.s32 v21, v12;
	[tilespmem:s23+$0x3200] =	vst v10  }
0x42: {  	v10 =	vshrl.u32 v15, $0x10;
	vm4 =	vne.s32 v11, $0x0;
	vm3 =	vmand vm2, vm3;
	[tilespmem:s23+$0x3400] =	vst v9  }
0x43: {  	v9 =	vadd.s32 v10, v21;
	vm2 =	vmand vm2, vm4;
	v10 =	vsel vm3, $0xFFFFFFFF, v0;
	[tilespmem:s23+$0x3600] =	vst v8  }
0x44: {  	v8 =	vshrl.u32 v9, $0x10;
	v9 =	vsel vm2, $0xFFFFFFFF, v0;
	v10 =	vadd.s32 v10, v13;
	[tilespmem:s23+$0x3800] =	vst v7  }
0x45: {  	vm2 =	vne.s32 v18, v16;
	v7 =	vadd.s32 v9, v8;
	v8 =	vshll.u32 v10, $0xA;
	[tilespmem:s23+$0x3A00] =	vst v6  }
0x46: {  	vm2 =	vmand vm0, vm2;
	v6 =	vshll.u32 v7, $0x14;
	v7 =	vand.u32 $0x7FC00, v8;
	[tilespmem:s23+$0x3C00] =	vst v5  }
0x47: {  	v5 =	vor.u32 v6, v7;
	v6 =	vand.u32 $0x7F, v21;
	v7 =	vsel vm2, $0xFFFFFFFF, v0;
	[tilespmem:s23+$0x3E00] =	vst v3  }
0x48: {  	v3 =	vor.u32 v6, v5;
	v5 =	vadd.s32 v14, v18;
	v6 =	vshrl.u32 v17, $0x7;
	[tilespmem:s23+$0x4000] =	vst v4  }
0x49: {  	vm0 =	vmand vm0, vm1;
	v4 =	vadd.s32 v7, v6;
	[tilespmem:s24+$0x400] =	vst v3;
	v6 =	vor.u32 $0x80380, v3  }
0x4a: {  	v5 =	vshrl.u32 v5, $0x10;
	v7 =	vsel vm0, $0xFFFFFFFF, v0;
	v4 =	vshll.u32 v4, $0xA;
	[tilespmem:s24+$0x2200] =	vst v6  }
0x4b: {  	v5 =	vadd.s32 v7, v5;
	v6 =	vand.u32 $0x7F, v18;
	v4 =	vand.u32 $0x7FC00, v4;
	[tilespmem:s23+$0x4200] =	vst v2  }
0x4c: {  	v7 =	vor.u32 $0x100, v3;
	v2 =	vshll.u32 v5, $0x14;
	v5 =	vor.u32 $0x80, v3;
	[tilespmem:s23+$0x2400] =	vst v1;
	s23 =	smov.u32 s24  }
0x4d: {  	v1 =	vor.u32 v2, v4;
	v2 =	vor.u32 $0x180, v3;
	v4 =	vor.u32 $0x200, v3;
	[tilespmem:s23+$0x600] =	vst v5  }
0x4e: {  	v1 =	vor.u32 v6, v1;
	v5 =	vor.u32 $0x280, v3;
	v6 =	vor.u32 $0x300, v3;
	[tilespmem:s23+$0x800] =	vst v7  }
0x4f: {  	v21 =	vor.u32 $0x80080, v3;
	v7 =	vor.u32 $0x80000, v3;
	[tilespmem:s23+$0xA00] =	vst v2;
	v2 =	vor.u32 $0x380, v3  }
0x50: {  	v17 =	vor.u32 $0x80200, v3;
	v18 =	vor.u32 $0x80180, v3;
	[tilespmem:s23+$0xC00] =	vst v4;
	v4 =	vor.u32 $0x80100, v3  }
0x51: {  	v20 =	vor.u32 $0x80280, v3;
	v19 =	vor.u32 $0x80300, v3;
	v15 =	vor.u32 $0x80, v1;
	[tilespmem:s23+$0xE00] =	vst v5  }
.Ltmp0:
0x52: {  	v16 =	vor.u32 $0x100, v1;
	v14 =	vor.u32 $0x180, v1;
	v13 =	vor.u32 $0x200, v1;
	[tilespmem:s23+$0x1000] =	vst v6;
	(pc) =	sbr.rel @p0 .LBB2_2-.Ltmp0, $4  }
0x53: {  	v12 =	vor.u32 $0x280, v1;
	v11 =	vor.u32 $0x300, v1;
	v10 =	vor.u32 $0x380, v1;
	[tilespmem:s23+$0x1200] =	vst v2  }
0x54: {  	v9 =	vor.u32 $0x80000, v1;
	v8 =	vor.u32 $0x80080, v1;
	[tilespmem:s23+$0x1400] =	vst v7;
	v7 =	vor.u32 $0x80100, v1  }
0x55: {  	v3 =	vor.u32 $0x80280, v1;
	v5 =	vor.u32 $0x80200, v1;
	v6 =	vor.u32 $0x80180, v1;
	[tilespmem:s23+$0x1600] =	vst v21  }
0x56: {  	s24 =	sshra.s32 s25, $0x2;
	s25 =	sadd.s32 $0x40, s25;
	v2 =	vor.u32 $0x80380, v1;
	[tilespmem:s23+$0x1800] =	vst v4;
	v4 =	vor.u32 $0x80300, v1  }
0x57: {  	v21 =	vld [tilespmem:s24+$0x0];
	[tilespmem:s23+$0x1A00] =	vst v18  }
0x58: {  	v18 =	vld [tilespmem:s24+$0x200];
	[tilespmem:s23+$0x1C00] =	vst v17  }
0x59: {  	[tilespmem:s23+$0x1E00] =	vst v20  }
0x5a: {  	[tilespmem:s23+$0x2000] =	vst v19  }
0x5b: {  	[tilespmem:s23+$0x2600] =	vst v15  }
0x5c: {  	[tilespmem:s23+$0x2800] =	vst v16;
	v52 =	vshra.s32 v21, $0x1F  }
0x5d: {  	[tilespmem:s23+$0x2A00] =	vst v14;
	v53 =	vshrl.u32 v52, $0x19  }
0x5e: {  	[tilespmem:s23+$0x2C00] =	vst v13;
	v54 =	vadd.s32 v53, v21  }
0x5f: {  	[tilespmem:s23+$0x2E00] =	vst v12;
	v55 =	vshra.s32 v54, $0x7  }
0x60: {  	[tilespmem:s23+$0x3000] =	vst v11;
	v56 =	vshll.u32 v55, $0x7  }
0x61: {  	[tilespmem:s23+$0x3200] =	vst v10;
	vm0 =	vlt.s32 v21, $0x1;
	v57 =	vand.u32 $0xFFFF, v21;
	vm1 =	vne.s32 v21, v56  }
0x62: {  	[tilespmem:s23+$0x3400] =	vst v9;
	v58 =	vshrl.u32 v52, $0x10;
	vm2 =	vne.s32 v57, $0x0;
	vm1 =	vmand vm0, vm1  }
0x63: {  	[tilespmem:s23+$0x3600] =	vst v8;
	v59 =	vadd.s32 v58, v21;
	vm0 =	vmand vm0, vm2;
	v60 =	vsel vm1, $0xFFFFFFFF, v0  }
0x64: {  	[tilespmem:s23+$0x3800] =	vst v7;
	v8 =	vshrl.u32 v59, $0x10;
	v61 =	vsel vm0, $0xFFFFFFFF, v0;
	v10 =	vadd.s32 v60, v55  }
0x65: {  	[tilespmem:s23+$0x3A00] =	vst v6;
	v7 =	vadd.s32 v61, v8;
	v8 =	vshll.u32 v10, $0xA  }
0x66: {  	[tilespmem:s23+$0x3C00] =	vst v5;
	v6 =	vshll.u32 v7, $0x14;
	v7 =	vand.u32 $0x7FC00, v8  }
0x67: {  	[tilespmem:s23+$0x3E00] =	vst v3;
	v5 =	vor.u32 v6, v7;
	v6 =	vand.u32 $0x7F, v21  }
0x68: {  	[tilespmem:s23+$0x4000] =	vst v4;
	v3 =	vor.u32 v6, v5  }
0x69: {  	[tilespmem:s24+$0x400] =	vst v3;
	v4 =	vor.u32 $0x80380, v3  }
0x6a: {  	[tilespmem:s24+$0x2200] =	vst v4  }
0x6b: {  	[tilespmem:s23+$0x4200] =	vst v2  }
0x6c: {  	v4 =	vor.u32 $0x80, v3;
	[tilespmem:s23+$0x2400] =	vst v1  }
0x6d: {  	v5 =	vor.u32 $0x100, v3;
	v2 =	vshra.s32 v18, $0x1F;
	[tilespmem:s24+$0x600] =	vst v4  }
0x6e: {  	vm13 =	vlt.s32 v18, $0x1;
	v6 =	vor.u32 $0x200, v3;
	v1 =	vshrl.u32 v2, $0x19;
	[tilespmem:s24+$0x800] =	vst v5  }
0x6f: {  	v4 =	vor.u32 $0x180, v3;
	[tilespmem:s24+$0xC00] =	vst v6;
	v2 =	vshrl.u32 v2, $0x10;
	v6 =	vor.u32 $0x300, v3  }
0x70: {  	v1 =	vadd.s32 v1, v18;
	[tilespmem:s24+$0xA00] =	vst v4;
	v4 =	vand.u32 $0xFFFF, v18;
	v2 =	vadd.s32 v2, v18  }
0x71: {  	[tilespmem:s24+$0x1000] =	vst v6;
	v6 =	vor.u32 $0x80000, v3;
	v5 =	vand.u32 $0xFFFFFF80, v1;
	vm15 =	vne.s32 v4, $0x0  }
0x72: {  	v1 =	vshrl.u32 v1, $0x7;
	[tilespmem:s24+$0x1400] =	vst v6;
	v6 =	vor.u32 $0x80100, v3;
	vm14 =	vne.s32 v18, v5  }
0x73: {  	v2 =	vshrl.u32 v2, $0x10;
	v5 =	vor.u32 $0x280, v3;
	[tilespmem:s24+$0x1800] =	vst v6;
	vm1 =	vmand vm13, vm14  }
0x74: {  	vm0 =	vmand vm13, vm15;
	[tilespmem:s24+$0xE00] =	vst v5;
	v5 =	vor.u32 $0x380, v3;
	v4 =	vsel vm1, $0xFFFFFFFF, v0  }
0x75: {  	[tilespmem:s24+$0x1200] =	vst v5;
	v5 =	vsel vm0, $0xFFFFFFFF, v0;
	v1 =	vadd.s32 v4, v1;
	v4 =	vor.u32 $0x80080, v3  }
0x76: {  	v2 =	vadd.s32 v5, v2;
	v5 =	vor.u32 $0x80200, v3;
	[tilespmem:s24+$0x1600] =	vst v4;
	v1 =	vshll.u32 v1, $0xA  }
0x77: {  	v4 =	vor.u32 $0x80180, v3;
	v2 =	vshll.u32 v2, $0x14;
	[tilespmem:s24+$0x1C00] =	vst v5;
	v1 =	vand.u32 $0x7FC00, v1  }
0x78: {  	[tilespmem:s24+$0x1A00] =	vst v4;
	v1 =	vor.u32 v2, v1;
	v2 =	vor.u32 $0x80280, v3  }
0x79: {  	v4 =	vand.u32 $0x7F, v18;
	v3 =	vor.u32 $0x80300, v3;
	[tilespmem:s24+$0x1E00] =	vst v2  }
0x7a: {  	v1 =	vor.u32 v4, v1;
	[tilespmem:s24+$0x2000] =	vst v3  }
0x7b: {  	v2 =	vor.u32 $0x80, v1;
	[tilespmem:s24+$0x2400] =	vst v1  }
0x7c: {  	v3 =	vor.u32 $0x100, v1;
	[tilespmem:s24+$0x2600] =	vst v2  }
0x7d: {  	v2 =	vor.u32 $0x180, v1;
	[tilespmem:s24+$0x2800] =	vst v3  }
0x7e: {  	v3 =	vor.u32 $0x200, v1;
	[tilespmem:s24+$0x2A00] =	vst v2  }
0x7f: {  	v2 =	vor.u32 $0x280, v1;
	[tilespmem:s24+$0x2C00] =	vst v3  }
0x80: {  	v3 =	vor.u32 $0x300, v1;
	[tilespmem:s24+$0x2E00] =	vst v2  }
0x81: {  	v2 =	vor.u32 $0x380, v1;
	[tilespmem:s24+$0x3000] =	vst v3  }
0x82: {  	v3 =	vor.u32 $0x80000, v1;
	[tilespmem:s24+$0x3200] =	vst v2  }
0x83: {  	v2 =	vor.u32 $0x80080, v1;
	[tilespmem:s24+$0x3400] =	vst v3  }
0x84: {  	v3 =	vor.u32 $0x80100, v1;
	[tilespmem:s24+$0x3600] =	vst v2  }
0x85: {  	v2 =	vor.u32 $0x80180, v1;
	[tilespmem:s24+$0x3800] =	vst v3  }
0x86: {  	v3 =	vor.u32 $0x80200, v1;
	[tilespmem:s24+$0x3A00] =	vst v2  }
0x87: {  	v2 =	vor.u32 $0x80280, v1;
	[tilespmem:s24+$0x3C00] =	vst v3  }
0x88: {  	v3 =	vor.u32 $0x80300, v1;
	[tilespmem:s24+$0x3E00] =	vst v2  }
0x89: {  	v2 =	vor.u32 $0x80380, v1;
	[tilespmem:s24+$0x4000] =	vst v3  }
0x8a: {  	[tilespmem:s24+$0x4200] =	vst v2  }
0x8b: {  	[tilespmem:s17], [sflag:$0x1] =	stream.indirect.gather [hbm4b:s3+s15], $0x1, s16, s15, $0xb8;
	[tilespmem:$0x8A00] =	vst v63  }
0x8c: {  	_ = 	snop  }
0x8d: {  	[tilespmem:s19], [sflag:$0x1] =	stream.indirect.gather [hbm4b:s4+s15], $0x1, s18, s15, $0xb8;
	[tilespmem:$0x8A00] =	vst v63  }
0x8e: {  	_ =	swait.ge [sflag:s20], $0x2000  }
0x8f: {  	[sflag:s20] =	ssyncset.done $0x0  }
0x90: {  	[sflag:s20] =	ssyncadd.s32 $0xFFFFE000  }
0x91: {  	_ =	swait.ge [sflag:s20], $0x2000  }
0x92: {  	[sflag:s20] =	ssyncset.done $0x0  }
0x93: {  	[sflag:s20] =	ssyncadd.s32 $0xFFFFE000  }
0x94: {  	_ =	swait.ge [sflag:s20], $0x200  }
0x95: {  	[sflag:s20] =	ssyncset.done $0x0  }
0x96: {  	[sflag:s20] =	ssyncadd.s32 $0xFFFFFE00  }
0x97: {  	_ =	swait.ge [sflag:s20], $0x200  }
0x98: {  	[sflag:s20] =	ssyncset.done $0x0  }
0x99: {  	s23 =	simm.s32 $0x0;
	[sflag:s20] =	ssyncadd.s32 $0xFFFFFE00  }
0x9a: {  	v1 =	vld [tilespmem:s23+$0x8400]  }
0x9b: {  	v2 =	vld [tilespmem:s23+$0x8600]  }
0x9c: {  	v3 =	vld [tilespmem:s23+$0x4400]  }
0x9d: {  	v4 =	vld [tilespmem:s23+$0x6400]  }
0x9e: {  	v5 =	vld [tilespmem:s23+$0x4600]  }
0x9f: {  	v6 =	vld [tilespmem:s23+$0x6600]  }
0xa0: {  	v7 =	vld [tilespmem:s23+$0x4800]  }
0xa1: {  	v8 =	vld [tilespmem:s23+$0x6800]  }
0xa2: {  	v1 =	vadd.f32 v2, v1;
	v2 =	vmul.f32 v4, v3;
	v3 =	vld [tilespmem:s23+$0x4A00]  }
0xa3: {  	v4 =	vld [tilespmem:s23+$0x6A00]  }
0xa4: {  	v1 =	vadd.f32 v2, v1;
	v2 =	vmul.f32 v6, v5;
	v5 =	vld [tilespmem:s23+$0x4C00]  }
0xa5: {  	v6 =	vld [tilespmem:s23+$0x6C00]  }
0xa6: {  	v1 =	vadd.f32 v2, v1;
	v2 =	vmul.f32 v8, v7;
	v7 =	vld [tilespmem:s23+$0x4E00]  }
0xa7: {  	v8 =	vld [tilespmem:s23+$0x6E00]  }
0xa8: {  	v1 =	vadd.f32 v2, v1;
	v2 =	vmul.f32 v4, v3;
	v3 =	vld [tilespmem:s23+$0x5000]  }
0xa9: {  	v4 =	vld [tilespmem:s23+$0x7000]  }
0xaa: {  	v1 =	vadd.f32 v2, v1;
	v2 =	vmul.f32 v6, v5;
	v5 =	vld [tilespmem:s23+$0x5200]  }
0xab: {  	v6 =	vld [tilespmem:s23+$0x7200]  }
0xac: {  	v1 =	vadd.f32 v2, v1;
	v2 =	vmul.f32 v8, v7;
	v7 =	vld [tilespmem:s23+$0x5400]  }
0xad: {  	v8 =	vld [tilespmem:s23+$0x7400]  }
0xae: {  	v1 =	vadd.f32 v2, v1;
	v2 =	vmul.f32 v4, v3;
	v3 =	vld [tilespmem:s23+$0x5600]  }
0xaf: {  	v4 =	vld [tilespmem:s23+$0x7600]  }
0xb0: {  	v1 =	vadd.f32 v2, v1;
	v2 =	vmul.f32 v6, v5;
	v5 =	vld [tilespmem:s23+$0x5800]  }
0xb1: {  	v6 =	vld [tilespmem:s23+$0x7800]  }
0xb2: {  	v1 =	vadd.f32 v2, v1;
	v2 =	vmul.f32 v8, v7;
	v7 =	vld [tilespmem:s23+$0x5A00]  }
0xb3: {  	v8 =	vld [tilespmem:s23+$0x7A00]  }
0xb4: {  	v1 =	vadd.f32 v2, v1;
	v2 =	vmul.f32 v4, v3;
	v3 =	vld [tilespmem:s23+$0x5C00]  }
0xb5: {  	v4 =	vld [tilespmem:s23+$0x7C00]  }
0xb6: {  	v62 =	vld [tilespmem:s23+$0x7E00];
	v1 =	vadd.f32 v2, v1;
	v2 =	vmul.f32 v6, v5  }
0xb7: {  	v6 =	vld [tilespmem:s23+$0x5E00]  }
0xb8: {  	v1 =	vadd.f32 v2, v1;
	v2 =	vmul.f32 v8, v7;
	v7 =	vld [tilespmem:s23+$0x6000]  }
0xb9: {  	v8 =	vld [tilespmem:s23+$0x8000]  }
0xba: {  	v5 =	vld [tilespmem:s23+$0x8200];
	v3 =	vmul.f32 v4, v3;
	v63 =	vadd.f32 v2, v1  }
0xbb: {  	s24 =	simm.s32 $0x10;
	v2 =	vld [tilespmem:s23+$0x6200]  }
0xbc: {  	v4 =	vld [tilespmem:s24+$0x4400];
	v6 =	vmul.f32 v62, v6;
	v10 =	vadd.f32 v3, v63  }
0xbd: {  	v1 =	vld [tilespmem:s24+$0x8400]  }
0xbe: {  	s25 =	simm.s32 $0x80;
	v3 =	vld [tilespmem:s24+$0x8600];
	v7 =	vmul.f32 v8, v7;
	v6 =	vadd.f32 v6, v10  }
.LBB2_4:
0xbf: {  	p0 =	sne.s32 s25, $0x7C0;
	v8 =	vld [tilespmem:s24+$0x6400]  }
0xc0: {  	v9 =	vld [tilespmem:s24+$0x4600];
	v6 =	vadd.f32 v7, v6;
	v2 =	vmul.f32 v5, v2  }
0xc1: {  	v5 =	vld [tilespmem:s24+$0x6600]  }
0xc2: {  	v7 =	vld [tilespmem:s24+$0x4800];
	v2 =	vadd.f32 v2, v6  }
0xc3: {  	v6 =	vld [tilespmem:s24+$0x6800]  }
0xc4: {  	v1 =	vadd.f32 v3, v1;
	v3 =	vmul.f32 v8, v4;
	v4 =	vld [tilespmem:s24+$0x4A00];
	[tilespmem:s23+$0x8800] =	vst v2;
	s23 =	smov.u32 s24  }
0xc5: {  	v2 =	vld [tilespmem:s23+$0x6A00]  }
0xc6: {  	v1 =	vadd.f32 v3, v1;
	v3 =	vmul.f32 v5, v9;
	v5 =	vld [tilespmem:s23+$0x4C00]  }
0xc7: {  	v8 =	vld [tilespmem:s23+$0x6C00]  }
0xc8: {  	v1 =	vadd.f32 v3, v1;
	v3 =	vmul.f32 v6, v7;
	v6 =	vld [tilespmem:s23+$0x4E00]  }
0xc9: {  	v7 =	vld [tilespmem:s23+$0x6E00]  }
0xca: {  	v1 =	vadd.f32 v3, v1;
	v2 =	vmul.f32 v2, v4;
	v3 =	vld [tilespmem:s23+$0x5000]  }
0xcb: {  	v4 =	vld [tilespmem:s23+$0x7000]  }
0xcc: {  	v1 =	vadd.f32 v2, v1;
	v2 =	vmul.f32 v8, v5;
	v5 =	vld [tilespmem:s23+$0x5200]  }
0xcd: {  	v8 =	vld [tilespmem:s23+$0x7200]  }
0xce: {  	v1 =	vadd.f32 v2, v1;
	v2 =	vmul.f32 v7, v6;
	v6 =	vld [tilespmem:s23+$0x5400]  }
0xcf: {  	v7 =	vld [tilespmem:s23+$0x7400]  }
0xd0: {  	v1 =	vadd.f32 v2, v1;
	v2 =	vmul.f32 v4, v3;
	v3 =	vld [tilespmem:s23+$0x5600]  }
0xd1: {  	v4 =	vld [tilespmem:s23+$0x7600]  }
0xd2: {  	v1 =	vadd.f32 v2, v1;
	v2 =	vmul.f32 v8, v5;
	v5 =	vld [tilespmem:s23+$0x5800]  }
0xd3: {  	v8 =	vld [tilespmem:s23+$0x7800]  }
0xd4: {  	v1 =	vadd.f32 v2, v1;
	v2 =	vmul.f32 v7, v6;
	v6 =	vld [tilespmem:s23+$0x5A00]  }
0xd5: {  	v7 =	vld [tilespmem:s23+$0x7A00]  }
0xd6: {  	v1 =	vadd.f32 v2, v1;
	v2 =	vmul.f32 v4, v3;
	v3 =	vld [tilespmem:s23+$0x5C00]  }
0xd7: {  	v4 =	vld [tilespmem:s23+$0x7C00]  }
0xd8: {  	v1 =	vadd.f32 v2, v1;
	v2 =	vmul.f32 v8, v5;
	v8 =	vld [tilespmem:s23+$0x5E00]  }
0xd9: {  	v9 =	vld [tilespmem:s23+$0x7E00]  }
0xda: {  	v1 =	vadd.f32 v2, v1;
	v2 =	vmul.f32 v7, v6;
	v7 =	vld [tilespmem:s23+$0x6000]  }
0xdb: {  	v10 =	vld [tilespmem:s23+$0x8000]  }
.Ltmp1:
0xdc: {  	v6 =	vadd.f32 v2, v1;
	v3 =	vmul.f32 v4, v3;
	v2 =	vld [tilespmem:s23+$0x6200];
	(pc) =	sbr.rel @p0 .LBB2_4-.Ltmp1, $4  }
0xdd: {  	s24 =	sshra.s32 s25, $0x2;
	v5 =	vld [tilespmem:s23+$0x8200]  }
0xde: {  	v1 =	vld [tilespmem:s24+$0x8400];
	v6 =	vadd.f32 v3, v6;
	v8 =	vmul.f32 v9, v8  }
0xdf: {  	v3 =	vld [tilespmem:s24+$0x8600]  }
0xe0: {  	s25 =	sadd.s32 $0x40, s25;
	v4 =	vld [tilespmem:s24+$0x4400];
	v6 =	vadd.f32 v8, v6;
	v7 =	vmul.f32 v10, v7  }
0xe1: {  	v8 =	vld [tilespmem:s24+$0x6400]  }
0xe2: {  	v9 =	vld [tilespmem:s24+$0x4600];
	v6 =	vadd.f32 v7, v6;
	v2 =	vmul.f32 v5, v2  }
0xe3: {  	v41 =	vld [tilespmem:s24+$0x6600]  }
0xe4: {  	v42 =	vld [tilespmem:s24+$0x4800];
	v2 =	vadd.f32 v2, v6  }
0xe5: {  	v43 =	vld [tilespmem:s24+$0x6800]  }
0xe6: {  	v10 =	vld [tilespmem:s24+$0x4A00];
	v1 =	vadd.f32 v3, v1;
	v3 =	vmul.f32 v8, v4;
	[tilespmem:s23+$0x8800] =	vst v2  }
0xe7: {  	v2 =	vld [tilespmem:s24+$0x6A00]  }
0xe8: {  	v44 =	vld [tilespmem:s24+$0x4C00];
	v1 =	vadd.f32 v3, v1;
	v3 =	vmul.f32 v41, v9  }
0xe9: {  	v45 =	vld [tilespmem:s24+$0x6C00]  }
0xea: {  	v46 =	vld [tilespmem:s24+$0x4E00];
	v1 =	vadd.f32 v3, v1;
	v3 =	vmul.f32 v43, v42  }
0xeb: {  	v47 =	vld [tilespmem:s24+$0x6E00]  }
0xec: {  	v48 =	vld [tilespmem:s24+$0x7000];
	v1 =	vadd.f32 v3, v1;
	v2 =	vmul.f32 v2, v10  }
0xed: {  	v3 =	vld [tilespmem:s24+$0x5000]  }
0xee: {  	v49 =	vld [tilespmem:s24+$0x5200];
	v1 =	vadd.f32 v2, v1;
	v2 =	vmul.f32 v45, v44  }
0xef: {  	v50 =	vld [tilespmem:s24+$0x7200]  }
0xf0: {  	v51 =	vld [tilespmem:s24+$0x5400];
	v1 =	vadd.f32 v2, v1;
	v2 =	vmul.f32 v47, v46  }
0xf1: {  	v52 =	vld [tilespmem:s24+$0x7400]  }
0xf2: {  	v53 =	vld [tilespmem:s24+$0x7600];
	v1 =	vadd.f32 v2, v1;
	v2 =	vmul.f32 v48, v3  }
0xf3: {  	v3 =	vld [tilespmem:s24+$0x5600]  }
0xf4: {  	v54 =	vld [tilespmem:s24+$0x5800];
	v1 =	vadd.f32 v2, v1;
	v2 =	vmul.f32 v50, v49  }
0xf5: {  	v55 =	vld [tilespmem:s24+$0x7800]  }
0xf6: {  	v56 =	vld [tilespmem:s24+$0x5A00];
	v1 =	vadd.f32 v2, v1;
	v2 =	vmul.f32 v52, v51  }
0xf7: {  	v57 =	vld [tilespmem:s24+$0x7A00]  }
0xf8: {  	v58 =	vld [tilespmem:s24+$0x7C00];
	v1 =	vadd.f32 v2, v1;
	v2 =	vmul.f32 v53, v3  }
0xf9: {  	v3 =	vld [tilespmem:s24+$0x5C00]  }
0xfa: {  	v59 =	vld [tilespmem:s24+$0x5E00];
	v1 =	vadd.f32 v2, v1;
	v2 =	vmul.f32 v55, v54  }
0xfb: {  	v60 =	vld [tilespmem:s24+$0x7E00]  }
0xfc: {  	v61 =	vld [tilespmem:s24+$0x6000];
	v1 =	vadd.f32 v2, v1;
	v2 =	vmul.f32 v57, v56  }
0xfd: {  	v62 =	vld [tilespmem:s24+$0x8000]  }
0xfe: {  	v63 =	vld [tilespmem:s24+$0x8200];
	v1 =	vadd.f32 v2, v1;
	v2 =	vmul.f32 v58, v3  }
0xff: {  	v3 =	vld [tilespmem:s24+$0x6200]  }
0x100: {  	v1 =	vadd.f32 v2, v1;
	v2 =	vmul.f32 v60, v59;
	_ =	sdelay $0x1  }
0x101: {  	v1 =	vadd.f32 v2, v1;
	v2 =	vmul.f32 v62, v61;
	_ =	sdelay $0x1  }
0x102: {  	v1 =	vadd.f32 v2, v1;
	v2 =	vmul.f32 v63, v3;
	_ =	sdelay $0x1  }
0x103: {  	s22 =	sadd.s32 $0x1, s22;
	v1 =	vadd.f32 v2, v1  }
0x104: {  	p0 =	sne.s32 s22, s10  }
.Ltmp2:
0x105: {  	[tilespmem:s24+$0x8800] =	vst v1;
	(pc) =	sbr.rel @p0 .LBB2_1-.Ltmp2, $4  }
0x106: {  	[hbm4b:s9+s1] =	stream.linear.scatter [tilespmem:s21], [sflag:$0x2], $0x200, $0x38;
	[tilespmem:$0x8A00] =	vst v63  }
0x107: {  	_ =	swait.ge [sflag:s11], $0x200  }
0x108: {  	[sflag:s11] =	ssyncset.done $0x0  }
0x109: {  	[sflag:s11] =	ssyncadd.s32 $0xFFFFFE00  }
0x10a: {  	_ =	sfence.sel $0x180000  }
0x10b: {  	[bflag:$0x0] =	sbarrier.arrive $0xFFFF  }
0x10c: {  	p0 =	sne.s32 s2, $0x0;
	_ =	strace $0x90000047  }
0x10d: {  	s0 =	sadd.s32 @!p0 $0x100000, s0;
	[bflag:$0x2] =	sbarrier.arrive $0xFFFF  }
0x10e: {  	[sflag:s0] =	ssyncadd.tile.s32 @!p0 $0x1;
	_ =	shalt  }
.Lfunc_end2:
_tile_overlayer_lowered:
.L_overlay_start_2:
0x10f: {  	(tag) =	ssettag $0x2  }
0x110: {  	s0 =	rddreg [dreg:$0x0];
	s2 =	stileid.u32  }
0x111: {  	s1 =	rddreg [dreg:$0x1];
	p0 =	sne.s32 s2, $0x0  }
0x112: {  	s3 =	rddreg [dreg:$0x2];
	[bflag:$0x3] =	sbarrier.arrive $0xFFFF;
	s2 =	simm.s32 @!p0 $0x1C02  }
0x113: {  	[timem:s3], [sflag:s2] =	dma.local @!p0 [hbm:s0], s1  }
0x114: {  	s0 =	simm.s32 @!p0 $0x2  }
0x115: {  	_ =	swait.ge @!p0 [sflag:s0], s1  }
0x116: {  	s1 =	ssub.s32 @!p0 $0x0, s1;
	[sflag:s0] =	ssyncset.done @!p0 $0x0  }
0x117: {  	[sflag:s0] =	ssyncadd.s32 @!p0 s1  }
0x118: {  	[bflag:$0x3] =	sbarrier.arrive $0xFFFF  }
0x119: {  	_ =	shalt  }

</sc_bundles>
